<compile_context>
chip_gen: v7x
topology: tpu7x:2x2x1
jax: 0.10.2.dev20260603
libtpu: 0.0.44.dev20260713+nightly
codegen_flags: <defaults>
</compile_context>

<pallas_src>
import functools

import jax
import jax.numpy as jnp
from jax import lax
from jax.experimental import pallas as pl
from jax.experimental.pallas import tpu as pltpu
from jax.experimental.pallas import tpu_sc as plsc

N = 10000
E = 320000
D = 128
H = 128
G = 64

CH = 128
EC = E // CH
NC = 2
NS = 16
NW = NC * NS
NP = 10240
RPT = NP // NS
EPT = E // NS
BM = 2000
NB = N // BM

_f32 = jnp.float32


def _sc_mesh():
    return plsc.VectorSubcoreMesh(core_axis_name="c", subcore_axis_name="s")



def _sc_agg_body(pk_hbm, z_hbm, zz_hbm, out_hbm,
                 idx_v, rows_v, acc_sh, sem):
    c = lax.axis_index("c")
    s = lax.axis_index("s")
    w = s * NC + c
    r0 = s * RPT

    pltpu.sync_copy(zz_hbm.at[pl.ds(r0, RPT)], acc_sh.at[pl.ds(r0, RPT)])
    plsc.subcore_barrier()

    steps = (EC + NW - 1) // NW

    def body(j, carry):
        cid = w + j * NW

        @pl.when(cid < EC)
        def _():
            pltpu.sync_copy(pk_hbm.at[cid], idx_v)
            pltpu.async_copy(z_hbm.at[idx_v.at[0]], rows_v, sem).wait()
            pltpu.sync_copy(rows_v, acc_sh.at[idx_v.at[1]], add=True)

        return carry

    lax.fori_loop(0, steps, body, 0)
    plsc.subcore_barrier()

    pltpu.sync_copy(acc_sh.at[pl.ds(r0, RPT)],
                    out_hbm.at[c, pl.ds(r0, RPT)])


def _make_sc_agg():
    return functools.partial(
        pl.kernel,
        mesh=_sc_mesh(),
        out_type=jax.ShapeDtypeStruct((NC, NP, H), _f32),
        scratch_types=[
            pltpu.VMEM((2, CH), jnp.int32),
            pltpu.VMEM((CH, H), _f32),
            pltpu.VMEM_SHARED((NP, H), _f32),
            pltpu.SemaphoreType.DMA,
        ],
    )(_sc_agg_body)



def _sc_cnt_body(dst_hbm, ones_hbm, zz_hbm, out_hbm,
                 dst_v, ones_v, acc_sh, sem):
    c = lax.axis_index("c")
    s = lax.axis_index("s")
    w = s * NC + c
    r0 = s * RPT

    pltpu.sync_copy(zz_hbm.at[pl.ds(r0, RPT)], acc_sh.at[pl.ds(r0, RPT)])
    pltpu.sync_copy(ones_hbm, ones_v)
    plsc.subcore_barrier()

    steps = (EC + NW - 1) // NW

    def body(j, carry):
        cid = w + j * NW

        @pl.when(cid < EC)
        def _():
            pltpu.sync_copy(dst_hbm.at[cid], dst_v)
            pltpu.sync_copy(ones_v, acc_sh.at[dst_v], add=True)

        return carry

    lax.fori_loop(0, steps, body, 0)
    plsc.subcore_barrier()

    pltpu.sync_copy(acc_sh.at[pl.ds(r0, RPT)],
                    out_hbm.at[c, pl.ds(r0, RPT)])


def _make_sc_cnt():
    return functools.partial(
        pl.kernel,
        mesh=_sc_mesh(),
        out_type=jax.ShapeDtypeStruct((NC, NP, H), _f32),
        scratch_types=[
            pltpu.VMEM((CH,), jnp.int32),
            pltpu.VMEM((CH, H), _f32),
            pltpu.VMEM_SHARED((NP, H), _f32),
            pltpu.SemaphoreType.DMA,
        ],
    )(_sc_cnt_body)



def _recip(c):
    r = 1.0 / c
    r = r * (2.0 - c * r)
    r = r * (2.0 - c * r)
    return r


def _layer_body(p_ref, cnt_ref, xp_ref, wl_ref, bl_ref, wr_ref, h_ref):
    inv = _recip(jnp.maximum(cnt_ref[0] + cnt_ref[1], 1.0))
    mean = (p_ref[0] + p_ref[1]) * inv
    h_ref[...] = jnp.maximum(
        jnp.dot(mean, wl_ref[...], preferred_element_type=_f32) +
        bl_ref[...] +
        jnp.dot(xp_ref[...], wr_ref[...], preferred_element_type=_f32), 0.0)


def _pool_body(h_ref, b_ref, wg_ref, bg_ref, w1_ref, b1_ref, w2_ref,
               b2_ref, o_ref):
    h = h_ref[...]
    gate = jnp.dot(h, wg_ref[...], preferred_element_type=_f32) + bg_ref[...]
    mask = b_ref[...] == lax.broadcasted_iota(jnp.int32, (N, G), 1)
    mg = jnp.max(jnp.where(mask, gate, -3e38), axis=0, keepdims=True)
    ew = jnp.where(mask, jnp.exp(gate - mg), 0.0)
    dn = jnp.sum(ew, axis=0, keepdims=True)
    alpha = ew * _recip(jnp.where(dn > 0.0, dn, 1.0))
    pooled = lax.dot_general(alpha, h, (((0,), (0,)), ((), ())),
                             preferred_element_type=_f32,
                             precision=lax.Precision.HIGHEST)
    t = jnp.maximum(
        jnp.dot(pooled, w1_ref[...], preferred_element_type=_f32) +
        b1_ref[...], 0.0)
    o_ref[...] = jnp.dot(t, w2_ref[...], preferred_element_type=_f32) + b2_ref[...]


def _row_spec(width):
    return pl.BlockSpec((BM, width), lambda i: (i, 0))


def _rep_spec(shape):
    nd = len(shape)
    return pl.BlockSpec(shape, lambda i: (0,) * nd)


def _tc_layer(p, cnt2d, xp, wl, bl, wr):
    return pl.pallas_call(
        _layer_body,
        grid=(NB,),
        in_specs=[
            pl.BlockSpec((NC, BM, H), lambda i: (0, i, 0)),
            pl.BlockSpec((NC, BM, 1), lambda i: (0, i, 0)),
            _row_spec(H), _rep_spec((H, H)), _rep_spec((1, H)),
            _rep_spec((H, H)),
        ],
        out_specs=_row_spec(H),
        out_shape=jax.ShapeDtypeStruct((N, H), _f32),
    )(p, cnt2d, xp, wl, bl, wr)


def _tc_pool(h, batch2d, wg, bg, w1, b1, w2, b2):
    return pl.pallas_call(
        _pool_body,
        out_shape=jax.ShapeDtypeStruct((G, 1), _f32),
    )(h, batch2d, wg, bg, w1, b1, w2, b2)



def kernel(x, edge_index, batch, Wl1, bl1, Wr1, Wl2, bl2, Wr2, Wl3, bl3, Wr3,
           Wg, bg, W1, b1, W2, b2):
    src2d = edge_index[0].reshape(EC, CH)
    dst2d = edge_index[1].reshape(EC, CH)
    batch2d = batch.reshape(N, 1)
    zz = jnp.zeros((NP, H), _f32)

    sc_agg = _make_sc_agg()
    cnt2d = _make_sc_cnt()(dst2d, jnp.ones((CH, H), _f32), zz)[:, :, :1]

    pk = jnp.stack([src2d, dst2d], axis=1)
    p1 = sc_agg(pk, x, zz)
    h1 = _tc_layer(p1, cnt2d, x, Wl1, bl1.reshape(1, H), Wr1)
    p2 = sc_agg(pk, h1, zz)
    h2 = _tc_layer(p2, cnt2d, h1, Wl2, bl2.reshape(1, H), Wr2)
    p3 = sc_agg(pk, h2, zz)
    h3 = _tc_layer(p3, cnt2d, h2, Wl3, bl3.reshape(1, H), Wr3)
    out = _tc_pool(h3, batch2d, Wg, bg.reshape(1, 1),
                   W1, b1.reshape(1, H), W2, b2.reshape(1, 1))
    return out

# --- scband reference (transcript-rebuilt; emitter-appended) ---
"""Pipeline reference for scband-net-6107443494970 (READ-ONLY COPY).

The authoritative reference and input builder live on the scoring server;
editing this copy changes nothing except your own understanding.
"""

import jax, jax.numpy as jnp
import numpy as np

N = 10000
E = 320000
D = 128
H = 128
G = 64


def setup_inputs(seed: int = 0) -> dict:
    key = jax.random.key(seed)
    ks = jax.random.split(key, 24)
    inp = {}
    inp['x'] = jax.random.normal(ks[0], (N, D), dtype=jnp.float32)
    inp['edge_index'] = jax.random.randint(ks[1], (2, E), 0, N, dtype=jnp.int32)
    inp['batch'] = jnp.sort(jax.random.randint(ks[2], (N,), 0, G, dtype=jnp.int32))
    s = 1.0 / np.sqrt(H)
    # SAGEConv layer 1 (D -> H): lin_l (neighbors, with bias), lin_r (root, no bias)
    inp['Wl1'] = jax.random.normal(ks[3], (D, H), dtype=jnp.float32) * s
    inp['bl1'] = jnp.zeros((H,), dtype=jnp.float32)
    inp['Wr1'] = jax.random.normal(ks[4], (D, H), dtype=jnp.float32) * s
    # SAGEConv layers 2 and 3 (H -> H)
    inp['Wl2'] = jax.random.normal(ks[5], (H, H), dtype=jnp.float32) * s
    inp['bl2'] = jnp.zeros((H,), dtype=jnp.float32)
    inp['Wr2'] = jax.random.normal(ks[6], (H, H), dtype=jnp.float32) * s
    inp['Wl3'] = jax.random.normal(ks[7], (H, H), dtype=jnp.float32) * s
    inp['bl3'] = jnp.zeros((H,), dtype=jnp.float32)
    inp['Wr3'] = jax.random.normal(ks[8], (H, H), dtype=jnp.float32) * s
    # AttentionalAggregation gate: Linear(H, 1)
    inp['Wg'] = jax.random.normal(ks[9], (H, 1), dtype=jnp.float32) * s
    inp['bg'] = jnp.zeros((1,), dtype=jnp.float32)
    # lin1: Linear(H, H), lin2: Linear(H, 1)
    inp['W1'] = jax.random.normal(ks[10], (H, H), dtype=jnp.float32) * s
    inp['b1'] = jnp.zeros((H,), dtype=jnp.float32)
    inp['W2'] = jax.random.normal(ks[11], (H, 1), dtype=jnp.float32) * s
    inp['b2'] = jnp.zeros((1,), dtype=jnp.float32)
    return inp


def _sage(x, edge_index, Wl, bl, Wr, num_nodes):
    src = edge_index[0]
    dst = edge_index[1]
    msg = x[src]  # gather
    ssum = jax.ops.segment_sum(msg, dst, num_segments=num_nodes)
    cnt = jax.ops.segment_sum(jnp.ones((msg.shape[0],), dtype=x.dtype), dst, num_segments=num_nodes)
    mean = ssum / jnp.clip(cnt, 1.0)[:, None]
    return mean @ Wl + bl + x @ Wr


def reference(x, edge_index, batch, Wl1, bl1, Wr1, Wl2, bl2, Wr2, Wl3, bl3, Wr3, Wg, bg, W1, b1, W2, b2):
    h = jax.nn.relu(_sage(x, edge_index, Wl1, bl1, Wr1, N))
    h = jax.nn.relu(_sage(h, edge_index, Wl2, bl2, Wr2, N))
    h = jax.nn.relu(_sage(h, edge_index, Wl3, bl3, Wr3, N))
    # AttentionalAggregation: softmax(gate_nn(h)) per graph segment, then weighted sum
    gate = h @ Wg + bg  # [N, 1]
    m = jax.ops.segment_max(gate, batch, num_segments=G)
    g = jnp.exp(gate - m[batch])
    denom = jax.ops.segment_sum(g, batch, num_segments=G)
    alpha = g / denom[batch]
    pooled = jax.ops.segment_sum(alpha * h, batch, num_segments=G)  # [G, H]
    out = jax.nn.relu(pooled @ W1 + b1)
    # dropout is identity in eval mode
    out = out @ W2 + b2
    return out

if __name__ == "__main__":
    import jax
    _d = setup_inputs()
    print(jax.jit(kernel)(*tuple(_d.values())))

</pallas_src>

<mosaic_0001>
#map = affine_map<(d0, d1) -> (0, 0, 0)>
#map1 = affine_map<(d0, d1) -> (0, 0)>
module attributes {stable_mosaic.version = 14 : i64} {
  func.func @_sc_agg_body(%arg0: i32, %arg1: i32, %arg2: memref<2500x2x128xi32, #tpu.memory_space<hbm>>, %arg3: memref<10000x128xf32, #tpu.memory_space<hbm>>, %arg4: memref<10240x128xf32, #tpu.memory_space<hbm>>, %arg5: memref<2x10240x128xf32, #tpu.memory_space<hbm>>, %arg6: memref<2x128xi32, #tpu.memory_space<vmem>>, %arg7: memref<128x128xf32, #tpu.memory_space<vmem>>, %arg8: memref<10240x128xf32, #tpu.memory_space<vmem_shared>>, %arg9: memref<!tpu.dma_semaphore, #tpu.memory_space<semaphore_mem>>) attributes {dimension_semantics = [#tpu.dimension_semantics<core_parallel>, #tpu.dimension_semantics<subcore_parallel>], iteration_bounds = array<i64: 2, 16>, scalar_prefetch = 0 : i64, scratch_operands = 4 : i64, tpu.core_type = #tpu.core_type<sc_vector_subcore>, window_params = [{transform_indices = #map}, {transform_indices = #map1}, {transform_indices = #map1}, {transform_indices = #map}]} {
    %mul3A = arith.constant 2 : i32
    %mul3A_0 = arith.muli %arg1, %mul3A : i32
    %add3A = arith.addi %mul3A_0, %arg0 : i32
    %mul3A_1 = arith.constant 640 : i32
    %mul3A_2 = arith.muli %arg1, %mul3A_1 : i32
    "tpu.region"() ({
      %run_scoped3A = tpu.sem_alloc : memref<!tpu.dma_semaphore, #tpu.memory_space<semaphore_mem>>
      %dma_start3A = arith.constant 0 : i32
      %dma_start3A_9 = tpu.memref_slice %arg8[%mul3A_2, %dma_start3A] : memref<10240x128xf32, #tpu.memory_space<vmem_shared>> -> memref<640x128xf32, #tpu.memory_space<vmem_shared>>
      %dma_start3A_10 = arith.constant 0 : i32
      %dma_start3A_11 = tpu.memref_slice %arg4[%mul3A_2, %dma_start3A_10] : memref<10240x128xf32, #tpu.memory_space<hbm>> -> memref<640x128xf32, #tpu.memory_space<hbm>>
      tpu.enqueue_dma source(%dma_start3A_11 : memref<640x128xf32, #tpu.memory_space<hbm>>) target(%dma_start3A_9 : memref<640x128xf32, #tpu.memory_space<vmem_shared>>) target_semaphore(%run_scoped3A : memref<!tpu.dma_semaphore, #tpu.memory_space<semaphore_mem>>)
      %dma_wait3A = arith.constant 0 : i32
      %dma_wait3A_12 = tpu.memref_slice %arg8[%mul3A_2, %dma_wait3A] : memref<10240x128xf32, #tpu.memory_space<vmem_shared>> -> memref<640x128xf32, #tpu.memory_space<vmem_shared>>
      %dma_wait3A_13 = arith.constant 0 : i32
      %dma_wait3A_14 = tpu.memref_slice %arg4[%mul3A_2, %dma_wait3A_13] : memref<10240x128xf32, #tpu.memory_space<hbm>> -> memref<640x128xf32, #tpu.memory_space<hbm>>
      tpu.wait_dma2 semaphore(%run_scoped3A : memref<!tpu.dma_semaphore, #tpu.memory_space<semaphore_mem>>) src(%dma_wait3A_14 : memref<640x128xf32, #tpu.memory_space<hbm>>) dst(%dma_wait3A_12 : memref<640x128xf32, #tpu.memory_space<vmem_shared>>)
      tpu.yield
    }) : () -> ()
    %barrier3A = arith.constant 0 : index
    tpu.barrier barrier_id(%barrier3A)
    %scan3A = arith.constant 0 : i32
    %scan3A_3 = arith.constant 0 : i32
    %scan3A_4 = arith.constant 79 : i32
    %scan3A_5 = arith.addi %scan3A_3, %scan3A_4 : i32
    %scan3A_6 = arith.constant 1 : i32
    scf.for %scan3A_9 = %scan3A_3 to %scan3A_5 step %scan3A_6  : i32 {
      %mul3A_10 = arith.constant 32 : i32
      %mul3A_11 = arith.muli %scan3A_9, %mul3A_10 : i32
      %add3A_12 = arith.addi %add3A, %mul3A_11 : i32
      %lt3A = arith.constant 2500 : i32
      %lt3A_13 = arith.cmpi slt, %add3A_12, %lt3A : i32
      %convert_element_type3A = arith.extui %lt3A_13 : i1 to i32
      %cond3A = arith.constant 0 : i32
      %cond3A_14 = arith.cmpi ne, %convert_element_type3A, %cond3A : i32
      scf.if %cond3A_14 {
        "tpu.region"() ({
          %run_scoped3A_27 = tpu.sem_alloc : memref<!tpu.dma_semaphore, #tpu.memory_space<semaphore_mem>>
          %dma_start3A_28 = arith.constant 0 : i32
          %dma_start3A_29 = arith.constant 0 : i32
          %dma_start3A_30 = tpu.memref_slice %arg2[%add3A_12, %dma_start3A_28, %dma_start3A_29] : memref<2500x2x128xi32, #tpu.memory_space<hbm>> -> memref<1x2x128xi32, #tpu.memory_space<hbm>>
          %dma_start3A_31 = tpu.memref_squeeze %dma_start3A_30 : memref<1x2x128xi32, #tpu.memory_space<hbm>> -> memref<2x128xi32, #tpu.memory_space<hbm>>
          %dma_start3A_32 = arith.constant 0 : i32
          %dma_start3A_33 = arith.constant 0 : i32
          %dma_start3A_34 = tpu.memref_slice %arg2[%add3A_12, %dma_start3A_32, %dma_start3A_33] : memref<2500x2x128xi32, #tpu.memory_space<hbm>> -> memref<1x2x128xi32, #tpu.memory_space<hbm>>
          %dma_start3A_35 = tpu.memref_squeeze %dma_start3A_34 : memref<1x2x128xi32, #tpu.memory_space<hbm>> -> memref<2x128xi32, #tpu.memory_space<hbm>>
          tpu.enqueue_dma source(%dma_start3A_35 : memref<2x128xi32, #tpu.memory_space<hbm>>) target(%arg6 : memref<2x128xi32, #tpu.memory_space<vmem>>) target_semaphore(%run_scoped3A_27 : memref<!tpu.dma_semaphore, #tpu.memory_space<semaphore_mem>>)
          %dma_wait3A_36 = arith.constant 0 : i32
          %dma_wait3A_37 = arith.constant 0 : i32
          %dma_wait3A_38 = tpu.memref_slice %arg2[%add3A_12, %dma_wait3A_36, %dma_wait3A_37] : memref<2500x2x128xi32, #tpu.memory_space<hbm>> -> memref<1x2x128xi32, #tpu.memory_space<hbm>>
          %dma_wait3A_39 = tpu.memref_squeeze %dma_wait3A_38 : memref<1x2x128xi32, #tpu.memory_space<hbm>> -> memref<2x128xi32, #tpu.memory_space<hbm>>
          %dma_wait3A_40 = arith.constant 0 : i32
          %dma_wait3A_41 = arith.constant 0 : i32
          %dma_wait3A_42 = tpu.memref_slice %arg2[%add3A_12, %dma_wait3A_40, %dma_wait3A_41] : memref<2500x2x128xi32, #tpu.memory_space<hbm>> -> memref<1x2x128xi32, #tpu.memory_space<hbm>>
          %dma_wait3A_43 = tpu.memref_squeeze %dma_wait3A_42 : memref<1x2x128xi32, #tpu.memory_space<hbm>> -> memref<2x128xi32, #tpu.memory_space<hbm>>
          tpu.wait_dma2 semaphore(%run_scoped3A_27 : memref<!tpu.dma_semaphore, #tpu.memory_space<semaphore_mem>>) src(%dma_wait3A_43 : memref<2x128xi32, #tpu.memory_space<hbm>>) dst(%arg6 : memref<2x128xi32, #tpu.memory_space<vmem>>)
          tpu.yield
        }) : () -> ()
        %dma_start3A = arith.constant 0 : i32
        %dma_start3A_15 = arith.constant 0 : i32
        %dma_start3A_16 = tpu.memref_slice %arg6[%dma_start3A, %dma_start3A_15] : memref<2x128xi32, #tpu.memory_space<vmem>> -> memref<1x128xi32, #tpu.memory_space<vmem>>
        %dma_start3A_17 = tpu.memref_squeeze %dma_start3A_16 : memref<1x128xi32, #tpu.memory_space<vmem>> -> memref<128xi32, #tpu.memory_space<vmem>>
        %dma_start3A_18 = arith.constant 0 : i32
        %dma_start3A_19 = arith.constant 0 : i32
        %dma_start3A_20 = tpu.memref_slice %arg3[%dma_start3A_18, %dma_start3A_19] : memref<10000x128xf32, #tpu.memory_space<hbm>> -> memref<10000x128xf32, #tpu.memory_space<hbm>>
        tpu.enqueue_indirect_dma source(%dma_start3A_20 : memref<10000x128xf32, #tpu.memory_space<hbm>>) target(%arg7 : memref<128x128xf32, #tpu.memory_space<vmem>>) offsets(%dma_start3A_17 : memref<128xi32, #tpu.memory_space<vmem>>) semaphore(%arg9 : memref<!tpu.dma_semaphore, #tpu.memory_space<semaphore_mem>>)
        %dma_wait3A = arith.constant 0 : i32
        %dma_wait3A_21 = arith.constant 0 : i32
        %dma_wait3A_22 = tpu.memref_slice %arg6[%dma_wait3A, %dma_wait3A_21] : memref<2x128xi32, #tpu.memory_space<vmem>> -> memref<1x128xi32, #tpu.memory_space<vmem>>
        %dma_wait3A_23 = tpu.memref_squeeze %dma_wait3A_22 : memref<1x128xi32, #tpu.memory_space<vmem>> -> memref<128xi32, #tpu.memory_space<vmem>>
        %dma_wait3A_24 = arith.constant 0 : i32
        %dma_wait3A_25 = arith.constant 0 : i32
        %dma_wait3A_26 = tpu.memref_slice %arg3[%dma_wait3A_24, %dma_wait3A_25] : memref<10000x128xf32, #tpu.memory_space<hbm>> -> memref<10000x128xf32, #tpu.memory_space<hbm>>
        tpu.wait_indirect_dma semaphore(%arg9 : memref<!tpu.dma_semaphore, #tpu.memory_space<semaphore_mem>>) src(%dma_wait3A_26 : memref<10000x128xf32, #tpu.memory_space<hbm>>) dst(%arg7 : memref<128x128xf32, #tpu.memory_space<vmem>>)
        %run_scoped3A = arith.constant 1 : i32
        "tpu.region"() ({
          %run_scoped3A_27 = tpu.sem_alloc : memref<!tpu.dma_semaphore, #tpu.memory_space<semaphore_mem>>
          %dma_start3A_28 = arith.constant 0 : i32
          %dma_start3A_29 = tpu.memref_slice %arg6[%run_scoped3A, %dma_start3A_28] : memref<2x128xi32, #tpu.memory_space<vmem>> -> memref<1x128xi32, #tpu.memory_space<vmem>>
          %dma_start3A_30 = tpu.memref_squeeze %dma_start3A_29 : memref<1x128xi32, #tpu.memory_space<vmem>> -> memref<128xi32, #tpu.memory_space<vmem>>
          %dma_start3A_31 = arith.constant 0 : i32
          %dma_start3A_32 = arith.constant 0 : i32
          %dma_start3A_33 = tpu.memref_slice %arg8[%dma_start3A_31, %dma_start3A_32] : memref<10240x128xf32, #tpu.memory_space<vmem_shared>> -> memref<10240x128xf32, #tpu.memory_space<vmem_shared>>
          tpu.enqueue_indirect_dma source(%arg7 : memref<128x128xf32, #tpu.memory_space<vmem>>) target(%dma_start3A_33 : memref<10240x128xf32, #tpu.memory_space<vmem_shared>>) offsets(%dma_start3A_30 : memref<128xi32, #tpu.memory_space<vmem>>) semaphore(%run_scoped3A_27 : memref<!tpu.dma_semaphore, #tpu.memory_space<semaphore_mem>>) {add = true}
          %dma_wait3A_34 = arith.constant 0 : i32
          %dma_wait3A_35 = tpu.memref_slice %arg6[%run_scoped3A, %dma_wait3A_34] : memref<2x128xi32, #tpu.memory_space<vmem>> -> memref<1x128xi32, #tpu.memory_space<vmem>>
          %dma_wait3A_36 = tpu.memref_squeeze %dma_wait3A_35 : memref<1x128xi32, #tpu.memory_space<vmem>> -> memref<128xi32, #tpu.memory_space<vmem>>
          %dma_wait3A_37 = arith.constant 0 : i32
          %dma_wait3A_38 = arith.constant 0 : i32
          %dma_wait3A_39 = tpu.memref_slice %arg8[%dma_wait3A_37, %dma_wait3A_38] : memref<10240x128xf32, #tpu.memory_space<vmem_shared>> -> memref<10240x128xf32, #tpu.memory_space<vmem_shared>>
          tpu.wait_indirect_dma semaphore(%run_scoped3A_27 : memref<!tpu.dma_semaphore, #tpu.memory_space<semaphore_mem>>) src(%arg7 : memref<128x128xf32, #tpu.memory_space<vmem>>) dst(%dma_wait3A_39 : memref<10240x128xf32, #tpu.memory_space<vmem_shared>>)
          tpu.yield
        }) : () -> ()
      } else {
      }
    }
    %scan3A_7 = arith.constant 79 : i32
    %barrier3A_8 = arith.constant 0 : index
    tpu.barrier barrier_id(%barrier3A_8)
    "tpu.region"() ({
      %run_scoped3A = tpu.sem_alloc : memref<!tpu.dma_semaphore, #tpu.memory_space<semaphore_mem>>
      %dma_start3A = arith.constant 0 : i32
      %dma_start3A_9 = tpu.memref_slice %arg5[%arg0, %mul3A_2, %dma_start3A] : memref<2x10240x128xf32, #tpu.memory_space<hbm>> -> memref<1x640x128xf32, #tpu.memory_space<hbm>>
      %dma_start3A_10 = tpu.memref_squeeze %dma_start3A_9 : memref<1x640x128xf32, #tpu.memory_space<hbm>> -> memref<640x128xf32, #tpu.memory_space<hbm>>
      %dma_start3A_11 = arith.constant 0 : i32
      %dma_start3A_12 = tpu.memref_slice %arg8[%mul3A_2, %dma_start3A_11] : memref<10240x128xf32, #tpu.memory_space<vmem_shared>> -> memref<640x128xf32, #tpu.memory_space<vmem_shared>>
      tpu.enqueue_dma source(%dma_start3A_12 : memref<640x128xf32, #tpu.memory_space<vmem_shared>>) target(%dma_start3A_10 : memref<640x128xf32, #tpu.memory_space<hbm>>) target_semaphore(%run_scoped3A : memref<!tpu.dma_semaphore, #tpu.memory_space<semaphore_mem>>)
      %dma_wait3A = arith.constant 0 : i32
      %dma_wait3A_13 = tpu.memref_slice %arg5[%arg0, %mul3A_2, %dma_wait3A] : memref<2x10240x128xf32, #tpu.memory_space<hbm>> -> memref<1x640x128xf32, #tpu.memory_space<hbm>>
      %dma_wait3A_14 = tpu.memref_squeeze %dma_wait3A_13 : memref<1x640x128xf32, #tpu.memory_space<hbm>> -> memref<640x128xf32, #tpu.memory_space<hbm>>
      %dma_wait3A_15 = arith.constant 0 : i32
      %dma_wait3A_16 = tpu.memref_slice %arg8[%mul3A_2, %dma_wait3A_15] : memref<10240x128xf32, #tpu.memory_space<vmem_shared>> -> memref<640x128xf32, #tpu.memory_space<vmem_shared>>
      tpu.wait_dma2 semaphore(%run_scoped3A : memref<!tpu.dma_semaphore, #tpu.memory_space<semaphore_mem>>) src(%dma_wait3A_16 : memref<640x128xf32, #tpu.memory_space<vmem_shared>>) dst(%dma_wait3A_14 : memref<640x128xf32, #tpu.memory_space<hbm>>)
      tpu.yield
    }) : () -> ()
    return
  }
}

#map = affine_map<(d0, d1) -> (0, 0, 0)>
#map1 = affine_map<(d0, d1) -> (0, 0)>
module attributes {stable_mosaic.version = 14 : i64} {
  func.func @_sc_agg_body(%arg0: i32, %arg1: i32, %arg2: memref<2500x2x128xi32, #tpu.memory_space<hbm>>, %arg3: memref<10000x128xf32, #tpu.memory_space<hbm>>, %arg4: memref<10240x128xf32, #tpu.memory_space<hbm>>, %arg5: memref<2x10240x128xf32, #tpu.memory_space<hbm>>, %arg6: memref<2x128xi32, #tpu.memory_space<vmem>>, %arg7: memref<128x128xf32, #tpu.memory_space<vmem>>, %arg8: memref<10240x128xf32, #tpu.memory_space<vmem_shared>>, %arg9: memref<!tpu.dma_semaphore, #tpu.memory_space<semaphore_mem>>) attributes {dimension_semantics = [#tpu.dimension_semantics<core_parallel>, #tpu.dimension_semantics<subcore_parallel>], iteration_bounds = array<i64: 2, 16>, scalar_prefetch = 0 : i64, scratch_operands = 4 : i64, tpu.core_type = #tpu.core_type<sc_vector_subcore>, window_params = [{transform_indices = #map}, {transform_indices = #map1}, {transform_indices = #map1}, {transform_indices = #map}]} {
    %mul3A = arith.constant 2 : i32
    %mul3A_0 = arith.muli %arg1, %mul3A : i32
    %add3A = arith.addi %mul3A_0, %arg0 : i32
    %mul3A_1 = arith.constant 640 : i32
    %mul3A_2 = arith.muli %arg1, %mul3A_1 : i32
    "tpu.region"() ({
      %run_scoped3A = tpu.sem_alloc : memref<!tpu.dma_semaphore, #tpu.memory_space<semaphore_mem>>
      %dma_start3A = arith.constant 0 : i32
      %dma_start3A_9 = tpu.memref_slice %arg8[%mul3A_2, %dma_start3A] : memref<10240x128xf32, #tpu.memory_space<vmem_shared>> -> memref<640x128xf32, #tpu.memory_space<vmem_shared>>
      %dma_start3A_10 = arith.constant 0 : i32
      %dma_start3A_11 = tpu.memref_slice %arg4[%mul3A_2, %dma_start3A_10] : memref<10240x128xf32, #tpu.memory_space<hbm>> -> memref<640x128xf32, #tpu.memory_space<hbm>>
      tpu.enqueue_dma source(%dma_start3A_11 : memref<640x128xf32, #tpu.memory_space<hbm>>) target(%dma_start3A_9 : memref<640x128xf32, #tpu.memory_space<vmem_shared>>) target_semaphore(%run_scoped3A : memref<!tpu.dma_semaphore, #tpu.memory_space<semaphore_mem>>)
      %dma_wait3A = arith.constant 0 : i32
      %dma_wait3A_12 = tpu.memref_slice %arg8[%mul3A_2, %dma_wait3A] : memref<10240x128xf32, #tpu.memory_space<vmem_shared>> -> memref<640x128xf32, #tpu.memory_space<vmem_shared>>
      %dma_wait3A_13 = arith.constant 0 : i32
      %dma_wait3A_14 = tpu.memref_slice %arg4[%mul3A_2, %dma_wait3A_13] : memref<10240x128xf32, #tpu.memory_space<hbm>> -> memref<640x128xf32, #tpu.memory_space<hbm>>
      tpu.wait_dma2 semaphore(%run_scoped3A : memref<!tpu.dma_semaphore, #tpu.memory_space<semaphore_mem>>) src(%dma_wait3A_14 : memref<640x128xf32, #tpu.memory_space<hbm>>) dst(%dma_wait3A_12 : memref<640x128xf32, #tpu.memory_space<vmem_shared>>)
      tpu.yield
    }) : () -> ()
    %barrier3A = arith.constant 0 : index
    tpu.barrier barrier_id(%barrier3A)
    %scan3A = arith.constant 0 : i32
    %scan3A_3 = arith.constant 0 : i32
    %scan3A_4 = arith.constant 79 : i32
    %scan3A_5 = arith.addi %scan3A_3, %scan3A_4 : i32
    %scan3A_6 = arith.constant 1 : i32
    scf.for %scan3A_9 = %scan3A_3 to %scan3A_5 step %scan3A_6  : i32 {
      %mul3A_10 = arith.constant 32 : i32
      %mul3A_11 = arith.muli %scan3A_9, %mul3A_10 : i32
      %add3A_12 = arith.addi %add3A, %mul3A_11 : i32
      %lt3A = arith.constant 2500 : i32
      %lt3A_13 = arith.cmpi slt, %add3A_12, %lt3A : i32
      %convert_element_type3A = arith.extui %lt3A_13 : i1 to i32
      %cond3A = arith.constant 0 : i32
      %cond3A_14 = arith.cmpi ne, %convert_element_type3A, %cond3A : i32
      scf.if %cond3A_14 {
        "tpu.region"() ({
          %run_scoped3A_27 = tpu.sem_alloc : memref<!tpu.dma_semaphore, #tpu.memory_space<semaphore_mem>>
          %dma_start3A_28 = arith.constant 0 : i32
          %dma_start3A_29 = arith.constant 0 : i32
          %dma_start3A_30 = tpu.memref_slice %arg2[%add3A_12, %dma_start3A_28, %dma_start3A_29] : memref<2500x2x128xi32, #tpu.memory_space<hbm>> -> memref<1x2x128xi32, #tpu.memory_space<hbm>>
          %dma_start3A_31 = tpu.memref_squeeze %dma_start3A_30 : memref<1x2x128xi32, #tpu.memory_space<hbm>> -> memref<2x128xi32, #tpu.memory_space<hbm>>
          %dma_start3A_32 = arith.constant 0 : i32
          %dma_start3A_33 = arith.constant 0 : i32
          %dma_start3A_34 = tpu.memref_slice %arg2[%add3A_12, %dma_start3A_32, %dma_start3A_33] : memref<2500x2x128xi32, #tpu.memory_space<hbm>> -> memref<1x2x128xi32, #tpu.memory_space<hbm>>
          %dma_start3A_35 = tpu.memref_squeeze %dma_start3A_34 : memref<1x2x128xi32, #tpu.memory_space<hbm>> -> memref<2x128xi32, #tpu.memory_space<hbm>>
          tpu.enqueue_dma source(%dma_start3A_35 : memref<2x128xi32, #tpu.memory_space<hbm>>) target(%arg6 : memref<2x128xi32, #tpu.memory_space<vmem>>) target_semaphore(%run_scoped3A_27 : memref<!tpu.dma_semaphore, #tpu.memory_space<semaphore_mem>>)
          %dma_wait3A_36 = arith.constant 0 : i32
          %dma_wait3A_37 = arith.constant 0 : i32
          %dma_wait3A_38 = tpu.memref_slice %arg2[%add3A_12, %dma_wait3A_36, %dma_wait3A_37] : memref<2500x2x128xi32, #tpu.memory_space<hbm>> -> memref<1x2x128xi32, #tpu.memory_space<hbm>>
          %dma_wait3A_39 = tpu.memref_squeeze %dma_wait3A_38 : memref<1x2x128xi32, #tpu.memory_space<hbm>> -> memref<2x128xi32, #tpu.memory_space<hbm>>
          %dma_wait3A_40 = arith.constant 0 : i32
          %dma_wait3A_41 = arith.constant 0 : i32
          %dma_wait3A_42 = tpu.memref_slice %arg2[%add3A_12, %dma_wait3A_40, %dma_wait3A_41] : memref<2500x2x128xi32, #tpu.memory_space<hbm>> -> memref<1x2x128xi32, #tpu.memory_space<hbm>>
          %dma_wait3A_43 = tpu.memref_squeeze %dma_wait3A_42 : memref<1x2x128xi32, #tpu.memory_space<hbm>> -> memref<2x128xi32, #tpu.memory_space<hbm>>
          tpu.wait_dma2 semaphore(%run_scoped3A_27 : memref<!tpu.dma_semaphore, #tpu.memory_space<semaphore_mem>>) src(%dma_wait3A_43 : memref<2x128xi32, #tpu.memory_space<hbm>>) dst(%arg6 : memref<2x128xi32, #tpu.memory_space<vmem>>)
          tpu.yield
        }) : () -> ()
        %dma_start3A = arith.constant 0 : i32
        %dma_start3A_15 = arith.constant 0 : i32
        %dma_start3A_16 = tpu.memref_slice %arg6[%dma_start3A, %dma_start3A_15] : memref<2x128xi32, #tpu.memory_space<vmem>> -> memref<1x128xi32, #tpu.memory_space<vmem>>
        %dma_start3A_17 = tpu.memref_squeeze %dma_start3A_16 : memref<1x128xi32, #tpu.memory_space<vmem>> -> memref<128xi32, #tpu.memory_space<vmem>>
        %dma_start3A_18 = arith.constant 0 : i32
        %dma_start3A_19 = arith.constant 0 : i32
        %dma_start3A_20 = tpu.memref_slice %arg3[%dma_start3A_18, %dma_start3A_19] : memref<10000x128xf32, #tpu.memory_space<hbm>> -> memref<10000x128xf32, #tpu.memory_space<hbm>>
        tpu.enqueue_indirect_dma source(%dma_start3A_20 : memref<10000x128xf32, #tpu.memory_space<hbm>>) target(%arg7 : memref<128x128xf32, #tpu.memory_space<vmem>>) offsets(%dma_start3A_17 : memref<128xi32, #tpu.memory_space<vmem>>) semaphore(%arg9 : memref<!tpu.dma_semaphore, #tpu.memory_space<semaphore_mem>>)
        %dma_wait3A = arith.constant 0 : i32
        %dma_wait3A_21 = arith.constant 0 : i32
        %dma_wait3A_22 = tpu.memref_slice %arg6[%dma_wait3A, %dma_wait3A_21] : memref<2x128xi32, #tpu.memory_space<vmem>> -> memref<1x128xi32, #tpu.memory_space<vmem>>
        %dma_wait3A_23 = tpu.memref_squeeze %dma_wait3A_22 : memref<1x128xi32, #tpu.memory_space<vmem>> -> memref<128xi32, #tpu.memory_space<vmem>>
        %dma_wait3A_24 = arith.constant 0 : i32
        %dma_wait3A_25 = arith.constant 0 : i32
        %dma_wait3A_26 = tpu.memref_slice %arg3[%dma_wait3A_24, %dma_wait3A_25] : memref<10000x128xf32, #tpu.memory_space<hbm>> -> memref<10000x128xf32, #tpu.memory_space<hbm>>
        tpu.wait_indirect_dma semaphore(%arg9 : memref<!tpu.dma_semaphore, #tpu.memory_space<semaphore_mem>>) src(%dma_wait3A_26 : memref<10000x128xf32, #tpu.memory_space<hbm>>) dst(%arg7 : memref<128x128xf32, #tpu.memory_space<vmem>>)
        %run_scoped3A = arith.constant 1 : i32
        "tpu.region"() ({
          %run_scoped3A_27 = tpu.sem_alloc : memref<!tpu.dma_semaphore, #tpu.memory_space<semaphore_mem>>
          %dma_start3A_28 = arith.constant 0 : i32
          %dma_start3A_29 = tpu.memref_slice %arg6[%run_scoped3A, %dma_start3A_28] : memref<2x128xi32, #tpu.memory_space<vmem>> -> memref<1x128xi32, #tpu.memory_space<vmem>>
          %dma_start3A_30 = tpu.memref_squeeze %dma_start3A_29 : memref<1x128xi32, #tpu.memory_space<vmem>> -> memref<128xi32, #tpu.memory_space<vmem>>
          %dma_start3A_31 = arith.constant 0 : i32
          %dma_start3A_32 = arith.constant 0 : i32
          %dma_start3A_33 = tpu.memref_slice %arg8[%dma_start3A_31, %dma_start3A_32] : memref<10240x128xf32, #tpu.memory_space<vmem_shared>> -> memref<10240x128xf32, #tpu.memory_space<vmem_shared>>
          tpu.enqueue_indirect_dma source(%arg7 : memref<128x128xf32, #tpu.memory_space<vmem>>) target(%dma_start3A_33 : memref<10240x128xf32, #tpu.memory_space<vmem_shared>>) offsets(%dma_start3A_30 : memref<128xi32, #tpu.memory_space<vmem>>) semaphore(%run_scoped3A_27 : memref<!tpu.dma_semaphore, #tpu.memory_space<semaphore_mem>>) {add = true}
          %dma_wait3A_34 = arith.constant 0 : i32
          %dma_wait3A_35 = tpu.memref_slice %arg6[%run_scoped3A, %dma_wait3A_34] : memref<2x128xi32, #tpu.memory_space<vmem>> -> memref<1x128xi32, #tpu.memory_space<vmem>>
          %dma_wait3A_36 = tpu.memref_squeeze %dma_wait3A_35 : memref<1x128xi32, #tpu.memory_space<vmem>> -> memref<128xi32, #tpu.memory_space<vmem>>
          %dma_wait3A_37 = arith.constant 0 : i32
          %dma_wait3A_38 = arith.constant 0 : i32
          %dma_wait3A_39 = tpu.memref_slice %arg8[%dma_wait3A_37, %dma_wait3A_38] : memref<10240x128xf32, #tpu.memory_space<vmem_shared>> -> memref<10240x128xf32, #tpu.memory_space<vmem_shared>>
          tpu.wait_indirect_dma semaphore(%run_scoped3A_27 : memref<!tpu.dma_semaphore, #tpu.memory_space<semaphore_mem>>) src(%arg7 : memref<128x128xf32, #tpu.memory_space<vmem>>) dst(%dma_wait3A_39 : memref<10240x128xf32, #tpu.memory_space<vmem_shared>>)
          tpu.yield
        }) : () -> ()
      } else {
      }
    }
    %scan3A_7 = arith.constant 79 : i32
    %barrier3A_8 = arith.constant 0 : index
    tpu.barrier barrier_id(%barrier3A_8)
    "tpu.region"() ({
      %run_scoped3A = tpu.sem_alloc : memref<!tpu.dma_semaphore, #tpu.memory_space<semaphore_mem>>
      %dma_start3A = arith.constant 0 : i32
      %dma_start3A_9 = tpu.memref_slice %arg5[%arg0, %mul3A_2, %dma_start3A] : memref<2x10240x128xf32, #tpu.memory_space<hbm>> -> memref<1x640x128xf32, #tpu.memory_space<hbm>>
      %dma_start3A_10 = tpu.memref_squeeze %dma_start3A_9 : memref<1x640x128xf32, #tpu.memory_space<hbm>> -> memref<640x128xf32, #tpu.memory_space<hbm>>
      %dma_start3A_11 = arith.constant 0 : i32
      %dma_start3A_12 = tpu.memref_slice %arg8[%mul3A_2, %dma_start3A_11] : memref<10240x128xf32, #tpu.memory_space<vmem_shared>> -> memref<640x128xf32, #tpu.memory_space<vmem_shared>>
      tpu.enqueue_dma source(%dma_start3A_12 : memref<640x128xf32, #tpu.memory_space<vmem_shared>>) target(%dma_start3A_10 : memref<640x128xf32, #tpu.memory_space<hbm>>) target_semaphore(%run_scoped3A : memref<!tpu.dma_semaphore, #tpu.memory_space<semaphore_mem>>)
      %dma_wait3A = arith.constant 0 : i32
      %dma_wait3A_13 = tpu.memref_slice %arg5[%arg0, %mul3A_2, %dma_wait3A] : memref<2x10240x128xf32, #tpu.memory_space<hbm>> -> memref<1x640x128xf32, #tpu.memory_space<hbm>>
      %dma_wait3A_14 = tpu.memref_squeeze %dma_wait3A_13 : memref<1x640x128xf32, #tpu.memory_space<hbm>> -> memref<640x128xf32, #tpu.memory_space<hbm>>
      %dma_wait3A_15 = arith.constant 0 : i32
      %dma_wait3A_16 = tpu.memref_slice %arg8[%mul3A_2, %dma_wait3A_15] : memref<10240x128xf32, #tpu.memory_space<vmem_shared>> -> memref<640x128xf32, #tpu.memory_space<vmem_shared>>
      tpu.wait_dma2 semaphore(%run_scoped3A : memref<!tpu.dma_semaphore, #tpu.memory_space<semaphore_mem>>) src(%dma_wait3A_16 : memref<640x128xf32, #tpu.memory_space<vmem_shared>>) dst(%dma_wait3A_14 : memref<640x128xf32, #tpu.memory_space<hbm>>)
      tpu.yield
    }) : () -> ()
    return
  }
}

#map = affine_map<(d0, d1) -> (0, 0, 0)>
#map1 = affine_map<(d0, d1) -> (0, 0)>
module attributes {stable_mosaic.version = 14 : i64} {
  func.func @_sc_agg_body(%arg0: i32, %arg1: i32, %arg2: memref<2500x2x128xi32, #tpu.memory_space<hbm>>, %arg3: memref<10000x128xf32, #tpu.memory_space<hbm>>, %arg4: memref<10240x128xf32, #tpu.memory_space<hbm>>, %arg5: memref<2x10240x128xf32, #tpu.memory_space<hbm>>, %arg6: memref<2x128xi32, #tpu.memory_space<vmem>>, %arg7: memref<128x128xf32, #tpu.memory_space<vmem>>, %arg8: memref<10240x128xf32, #tpu.memory_space<vmem_shared>>, %arg9: memref<!tpu.dma_semaphore, #tpu.memory_space<semaphore_mem>>) attributes {dimension_semantics = [#tpu.dimension_semantics<core_parallel>, #tpu.dimension_semantics<subcore_parallel>], iteration_bounds = array<i64: 2, 16>, scalar_prefetch = 0 : i64, scratch_operands = 4 : i64, tpu.core_type = #tpu.core_type<sc_vector_subcore>, window_params = [{transform_indices = #map}, {transform_indices = #map1}, {transform_indices = #map1}, {transform_indices = #map}]} {
    %mul3A = arith.constant 2 : i32
    %mul3A_0 = arith.muli %arg1, %mul3A : i32
    %add3A = arith.addi %mul3A_0, %arg0 : i32
    %mul3A_1 = arith.constant 640 : i32
    %mul3A_2 = arith.muli %arg1, %mul3A_1 : i32
    "tpu.region"() ({
      %run_scoped3A = tpu.sem_alloc : memref<!tpu.dma_semaphore, #tpu.memory_space<semaphore_mem>>
      %dma_start3A = arith.constant 0 : i32
      %dma_start3A_9 = tpu.memref_slice %arg8[%mul3A_2, %dma_start3A] : memref<10240x128xf32, #tpu.memory_space<vmem_shared>> -> memref<640x128xf32, #tpu.memory_space<vmem_shared>>
      %dma_start3A_10 = arith.constant 0 : i32
      %dma_start3A_11 = tpu.memref_slice %arg4[%mul3A_2, %dma_start3A_10] : memref<10240x128xf32, #tpu.memory_space<hbm>> -> memref<640x128xf32, #tpu.memory_space<hbm>>
      tpu.enqueue_dma source(%dma_start3A_11 : memref<640x128xf32, #tpu.memory_space<hbm>>) target(%dma_start3A_9 : memref<640x128xf32, #tpu.memory_space<vmem_shared>>) target_semaphore(%run_scoped3A : memref<!tpu.dma_semaphore, #tpu.memory_space<semaphore_mem>>)
      %dma_wait3A = arith.constant 0 : i32
      %dma_wait3A_12 = tpu.memref_slice %arg8[%mul3A_2, %dma_wait3A] : memref<10240x128xf32, #tpu.memory_space<vmem_shared>> -> memref<640x128xf32, #tpu.memory_space<vmem_shared>>
      %dma_wait3A_13 = arith.constant 0 : i32
      %dma_wait3A_14 = tpu.memref_slice %arg4[%mul3A_2, %dma_wait3A_13] : memref<10240x128xf32, #tpu.memory_space<hbm>> -> memref<640x128xf32, #tpu.memory_space<hbm>>
      tpu.wait_dma2 semaphore(%run_scoped3A : memref<!tpu.dma_semaphore, #tpu.memory_space<semaphore_mem>>) src(%dma_wait3A_14 : memref<640x128xf32, #tpu.memory_space<hbm>>) dst(%dma_wait3A_12 : memref<640x128xf32, #tpu.memory_space<vmem_shared>>)
      tpu.yield
    }) : () -> ()
    %barrier3A = arith.constant 0 : index
    tpu.barrier barrier_id(%barrier3A)
    %scan3A = arith.constant 0 : i32
    %scan3A_3 = arith.constant 0 : i32
    %scan3A_4 = arith.constant 79 : i32
    %scan3A_5 = arith.addi %scan3A_3, %scan3A_4 : i32
    %scan3A_6 = arith.constant 1 : i32
    scf.for %scan3A_9 = %scan3A_3 to %scan3A_5 step %scan3A_6  : i32 {
      %mul3A_10 = arith.constant 32 : i32
      %mul3A_11 = arith.muli %scan3A_9, %mul3A_10 : i32
      %add3A_12 = arith.addi %add3A, %mul3A_11 : i32
      %lt3A = arith.constant 2500 : i32
      %lt3A_13 = arith.cmpi slt, %add3A_12, %lt3A : i32
      %convert_element_type3A = arith.extui %lt3A_13 : i1 to i32
      %cond3A = arith.constant 0 : i32
      %cond3A_14 = arith.cmpi ne, %convert_element_type3A, %cond3A : i32
      scf.if %cond3A_14 {
        "tpu.region"() ({
          %run_scoped3A_27 = tpu.sem_alloc : memref<!tpu.dma_semaphore, #tpu.memory_space<semaphore_mem>>
          %dma_start3A_28 = arith.constant 0 : i32
          %dma_start3A_29 = arith.constant 0 : i32
          %dma_start3A_30 = tpu.memref_slice %arg2[%add3A_12, %dma_start3A_28, %dma_start3A_29] : memref<2500x2x128xi32, #tpu.memory_space<hbm>> -> memref<1x2x128xi32, #tpu.memory_space<hbm>>
          %dma_start3A_31 = tpu.memref_squeeze %dma_start3A_30 : memref<1x2x128xi32, #tpu.memory_space<hbm>> -> memref<2x128xi32, #tpu.memory_space<hbm>>
          %dma_start3A_32 = arith.constant 0 : i32
          %dma_start3A_33 = arith.constant 0 : i32
          %dma_start3A_34 = tpu.memref_slice %arg2[%add3A_12, %dma_start3A_32, %dma_start3A_33] : memref<2500x2x128xi32, #tpu.memory_space<hbm>> -> memref<1x2x128xi32, #tpu.memory_space<hbm>>
          %dma_start3A_35 = tpu.memref_squeeze %dma_start3A_34 : memref<1x2x128xi32, #tpu.memory_space<hbm>> -> memref<2x128xi32, #tpu.memory_space<hbm>>
          tpu.enqueue_dma source(%dma_start3A_35 : memref<2x128xi32, #tpu.memory_space<hbm>>) target(%arg6 : memref<2x128xi32, #tpu.memory_space<vmem>>) target_semaphore(%run_scoped3A_27 : memref<!tpu.dma_semaphore, #tpu.memory_space<semaphore_mem>>)
          %dma_wait3A_36 = arith.constant 0 : i32
          %dma_wait3A_37 = arith.constant 0 : i32
          %dma_wait3A_38 = tpu.memref_slice %arg2[%add3A_12, %dma_wait3A_36, %dma_wait3A_37] : memref<2500x2x128xi32, #tpu.memory_space<hbm>> -> memref<1x2x128xi32, #tpu.memory_space<hbm>>
          %dma_wait3A_39 = tpu.memref_squeeze %dma_wait3A_38 : memref<1x2x128xi32, #tpu.memory_space<hbm>> -> memref<2x128xi32, #tpu.memory_space<hbm>>
          %dma_wait3A_40 = arith.constant 0 : i32
          %dma_wait3A_41 = arith.constant 0 : i32
          %dma_wait3A_42 = tpu.memref_slice %arg2[%add3A_12, %dma_wait3A_40, %dma_wait3A_41] : memref<2500x2x128xi32, #tpu.memory_space<hbm>> -> memref<1x2x128xi32, #tpu.memory_space<hbm>>
          %dma_wait3A_43 = tpu.memref_squeeze %dma_wait3A_42 : memref<1x2x128xi32, #tpu.memory_space<hbm>> -> memref<2x128xi32, #tpu.memory_space<hbm>>
          tpu.wait_dma2 semaphore(%run_scoped3A_27 : memref<!tpu.dma_semaphore, #tpu.memory_space<semaphore_mem>>) src(%dma_wait3A_43 : memref<2x128xi32, #tpu.memory_space<hbm>>) dst(%arg6 : memref<2x128xi32, #tpu.memory_space<vmem>>)
          tpu.yield
        }) : () -> ()
        %dma_start3A = arith.constant 0 : i32
        %dma_start3A_15 = arith.constant 0 : i32
        %dma_start3A_16 = tpu.memref_slice %arg6[%dma_start3A, %dma_start3A_15] : memref<2x128xi32, #tpu.memory_space<vmem>> -> memref<1x128xi32, #tpu.memory_space<vmem>>
        %dma_start3A_17 = tpu.memref_squeeze %dma_start3A_16 : memref<1x128xi32, #tpu.memory_space<vmem>> -> memref<128xi32, #tpu.memory_space<vmem>>
        %dma_start3A_18 = arith.constant 0 : i32
        %dma_start3A_19 = arith.constant 0 : i32
        %dma_start3A_20 = tpu.memref_slice %arg3[%dma_start3A_18, %dma_start3A_19] : memref<10000x128xf32, #tpu.memory_space<hbm>> -> memref<10000x128xf32, #tpu.memory_space<hbm>>
        tpu.enqueue_indirect_dma source(%dma_start3A_20 : memref<10000x128xf32, #tpu.memory_space<hbm>>) target(%arg7 : memref<128x128xf32, #tpu.memory_space<vmem>>) offsets(%dma_start3A_17 : memref<128xi32, #tpu.memory_space<vmem>>) semaphore(%arg9 : memref<!tpu.dma_semaphore, #tpu.memory_space<semaphore_mem>>)
        %dma_wait3A = arith.constant 0 : i32
        %dma_wait3A_21 = arith.constant 0 : i32
        %dma_wait3A_22 = tpu.memref_slice %arg6[%dma_wait3A, %dma_wait3A_21] : memref<2x128xi32, #tpu.memory_space<vmem>> -> memref<1x128xi32, #tpu.memory_space<vmem>>
        %dma_wait3A_23 = tpu.memref_squeeze %dma_wait3A_22 : memref<1x128xi32, #tpu.memory_space<vmem>> -> memref<128xi32, #tpu.memory_space<vmem>>
        %dma_wait3A_24 = arith.constant 0 : i32
        %dma_wait3A_25 = arith.constant 0 : i32
        %dma_wait3A_26 = tpu.memref_slice %arg3[%dma_wait3A_24, %dma_wait3A_25] : memref<10000x128xf32, #tpu.memory_space<hbm>> -> memref<10000x128xf32, #tpu.memory_space<hbm>>
        tpu.wait_indirect_dma semaphore(%arg9 : memref<!tpu.dma_semaphore, #tpu.memory_space<semaphore_mem>>) src(%dma_wait3A_26 : memref<10000x128xf32, #tpu.memory_space<hbm>>) dst(%arg7 : memref<128x128xf32, #tpu.memory_space<vmem>>)
        %run_scoped3A = arith.constant 1 : i32
        "tpu.region"() ({
          %run_scoped3A_27 = tpu.sem_alloc : memref<!tpu.dma_semaphore, #tpu.memory_space<semaphore_mem>>
          %dma_start3A_28 = arith.constant 0 : i32
          %dma_start3A_29 = tpu.memref_slice %arg6[%run_scoped3A, %dma_start3A_28] : memref<2x128xi32, #tpu.memory_space<vmem>> -> memref<1x128xi32, #tpu.memory_space<vmem>>
          %dma_start3A_30 = tpu.memref_squeeze %dma_start3A_29 : memref<1x128xi32, #tpu.memory_space<vmem>> -> memref<128xi32, #tpu.memory_space<vmem>>
          %dma_start3A_31 = arith.constant 0 : i32
          %dma_start3A_32 = arith.constant 0 : i32
          %dma_start3A_33 = tpu.memref_slice %arg8[%dma_start3A_31, %dma_start3A_32] : memref<10240x128xf32, #tpu.memory_space<vmem_shared>> -> memref<10240x128xf32, #tpu.memory_space<vmem_shared>>
          tpu.enqueue_indirect_dma source(%arg7 : memref<128x128xf32, #tpu.memory_space<vmem>>) target(%dma_start3A_33 : memref<10240x128xf32, #tpu.memory_space<vmem_shared>>) offsets(%dma_start3A_30 : memref<128xi32, #tpu.memory_space<vmem>>) semaphore(%run_scoped3A_27 : memref<!tpu.dma_semaphore, #tpu.memory_space<semaphore_mem>>) {add = true}
          %dma_wait3A_34 = arith.constant 0 : i32
          %dma_wait3A_35 = tpu.memref_slice %arg6[%run_scoped3A, %dma_wait3A_34] : memref<2x128xi32, #tpu.memory_space<vmem>> -> memref<1x128xi32, #tpu.memory_space<vmem>>
          %dma_wait3A_36 = tpu.memref_squeeze %dma_wait3A_35 : memref<1x128xi32, #tpu.memory_space<vmem>> -> memref<128xi32, #tpu.memory_space<vmem>>
          %dma_wait3A_37 = arith.constant 0 : i32
          %dma_wait3A_38 = arith.constant 0 : i32
          %dma_wait3A_39 = tpu.memref_slice %arg8[%dma_wait3A_37, %dma_wait3A_38] : memref<10240x128xf32, #tpu.memory_space<vmem_shared>> -> memref<10240x128xf32, #tpu.memory_space<vmem_shared>>
          tpu.wait_indirect_dma semaphore(%run_scoped3A_27 : memref<!tpu.dma_semaphore, #tpu.memory_space<semaphore_mem>>) src(%arg7 : memref<128x128xf32, #tpu.memory_space<vmem>>) dst(%dma_wait3A_39 : memref<10240x128xf32, #tpu.memory_space<vmem_shared>>)
          tpu.yield
        }) : () -> ()
      } else {
      }
    }
    %scan3A_7 = arith.constant 79 : i32
    %barrier3A_8 = arith.constant 0 : index
    tpu.barrier barrier_id(%barrier3A_8)
    "tpu.region"() ({
      %run_scoped3A = tpu.sem_alloc : memref<!tpu.dma_semaphore, #tpu.memory_space<semaphore_mem>>
      %dma_start3A = arith.constant 0 : i32
      %dma_start3A_9 = tpu.memref_slice %arg5[%arg0, %mul3A_2, %dma_start3A] : memref<2x10240x128xf32, #tpu.memory_space<hbm>> -> memref<1x640x128xf32, #tpu.memory_space<hbm>>
      %dma_start3A_10 = tpu.memref_squeeze %dma_start3A_9 : memref<1x640x128xf32, #tpu.memory_space<hbm>> -> memref<640x128xf32, #tpu.memory_space<hbm>>
      %dma_start3A_11 = arith.constant 0 : i32
      %dma_start3A_12 = tpu.memref_slice %arg8[%mul3A_2, %dma_start3A_11] : memref<10240x128xf32, #tpu.memory_space<vmem_shared>> -> memref<640x128xf32, #tpu.memory_space<vmem_shared>>
      tpu.enqueue_dma source(%dma_start3A_12 : memref<640x128xf32, #tpu.memory_space<vmem_shared>>) target(%dma_start3A_10 : memref<640x128xf32, #tpu.memory_space<hbm>>) target_semaphore(%run_scoped3A : memref<!tpu.dma_semaphore, #tpu.memory_space<semaphore_mem>>)
      %dma_wait3A = arith.constant 0 : i32
      %dma_wait3A_13 = tpu.memref_slice %arg5[%arg0, %mul3A_2, %dma_wait3A] : memref<2x10240x128xf32, #tpu.memory_space<hbm>> -> memref<1x640x128xf32, #tpu.memory_space<hbm>>
      %dma_wait3A_14 = tpu.memref_squeeze %dma_wait3A_13 : memref<1x640x128xf32, #tpu.memory_space<hbm>> -> memref<640x128xf32, #tpu.memory_space<hbm>>
      %dma_wait3A_15 = arith.constant 0 : i32
      %dma_wait3A_16 = tpu.memref_slice %arg8[%mul3A_2, %dma_wait3A_15] : memref<10240x128xf32, #tpu.memory_space<vmem_shared>> -> memref<640x128xf32, #tpu.memory_space<vmem_shared>>
      tpu.wait_dma2 semaphore(%run_scoped3A : memref<!tpu.dma_semaphore, #tpu.memory_space<semaphore_mem>>) src(%dma_wait3A_16 : memref<640x128xf32, #tpu.memory_space<vmem_shared>>) dst(%dma_wait3A_14 : memref<640x128xf32, #tpu.memory_space<hbm>>)
      tpu.yield
    }) : () -> ()
    return
  }
}

#map = affine_map<(d0, d1) -> (0, 0)>
#map1 = affine_map<(d0, d1) -> (0, 0, 0)>
module attributes {stable_mosaic.version = 14 : i64} {
  func.func @_sc_cnt_body(%arg0: i32, %arg1: i32, %arg2: memref<2500x128xi32, #tpu.memory_space<hbm>>, %arg3: memref<128x128xf32, #tpu.memory_space<hbm>>, %arg4: memref<10240x128xf32, #tpu.memory_space<hbm>>, %arg5: memref<2x10240x128xf32, #tpu.memory_space<hbm>>, %arg6: memref<128xi32, #tpu.memory_space<vmem>>, %arg7: memref<128x128xf32, #tpu.memory_space<vmem>>, %arg8: memref<10240x128xf32, #tpu.memory_space<vmem_shared>>, %arg9: memref<!tpu.dma_semaphore, #tpu.memory_space<semaphore_mem>>) attributes {dimension_semantics = [#tpu.dimension_semantics<core_parallel>, #tpu.dimension_semantics<subcore_parallel>], iteration_bounds = array<i64: 2, 16>, scalar_prefetch = 0 : i64, scratch_operands = 4 : i64, tpu.core_type = #tpu.core_type<sc_vector_subcore>, window_params = [{transform_indices = #map}, {transform_indices = #map}, {transform_indices = #map}, {transform_indices = #map1}]} {
    %mul3A = arith.constant 2 : i32
    %mul3A_0 = arith.muli %arg1, %mul3A : i32
    %add3A = arith.addi %mul3A_0, %arg0 : i32
    %mul3A_1 = arith.constant 640 : i32
    %mul3A_2 = arith.muli %arg1, %mul3A_1 : i32
    "tpu.region"() ({
      %run_scoped3A = tpu.sem_alloc : memref<!tpu.dma_semaphore, #tpu.memory_space<semaphore_mem>>
      %dma_start3A = arith.constant 0 : i32
      %dma_start3A_9 = tpu.memref_slice %arg8[%mul3A_2, %dma_start3A] : memref<10240x128xf32, #tpu.memory_space<vmem_shared>> -> memref<640x128xf32, #tpu.memory_space<vmem_shared>>
      %dma_start3A_10 = arith.constant 0 : i32
      %dma_start3A_11 = tpu.memref_slice %arg4[%mul3A_2, %dma_start3A_10] : memref<10240x128xf32, #tpu.memory_space<hbm>> -> memref<640x128xf32, #tpu.memory_space<hbm>>
      tpu.enqueue_dma source(%dma_start3A_11 : memref<640x128xf32, #tpu.memory_space<hbm>>) target(%dma_start3A_9 : memref<640x128xf32, #tpu.memory_space<vmem_shared>>) target_semaphore(%run_scoped3A : memref<!tpu.dma_semaphore, #tpu.memory_space<semaphore_mem>>)
      %dma_wait3A = arith.constant 0 : i32
      %dma_wait3A_12 = tpu.memref_slice %arg8[%mul3A_2, %dma_wait3A] : memref<10240x128xf32, #tpu.memory_space<vmem_shared>> -> memref<640x128xf32, #tpu.memory_space<vmem_shared>>
      %dma_wait3A_13 = arith.constant 0 : i32
      %dma_wait3A_14 = tpu.memref_slice %arg4[%mul3A_2, %dma_wait3A_13] : memref<10240x128xf32, #tpu.memory_space<hbm>> -> memref<640x128xf32, #tpu.memory_space<hbm>>
      tpu.wait_dma2 semaphore(%run_scoped3A : memref<!tpu.dma_semaphore, #tpu.memory_space<semaphore_mem>>) src(%dma_wait3A_14 : memref<640x128xf32, #tpu.memory_space<hbm>>) dst(%dma_wait3A_12 : memref<640x128xf32, #tpu.memory_space<vmem_shared>>)
      tpu.yield
    }) : () -> ()
    "tpu.region"() ({
      %run_scoped3A = tpu.sem_alloc : memref<!tpu.dma_semaphore, #tpu.memory_space<semaphore_mem>>
      tpu.enqueue_dma source(%arg3 : memref<128x128xf32, #tpu.memory_space<hbm>>) target(%arg7 : memref<128x128xf32, #tpu.memory_space<vmem>>) target_semaphore(%run_scoped3A : memref<!tpu.dma_semaphore, #tpu.memory_space<semaphore_mem>>)
      tpu.wait_dma2 semaphore(%run_scoped3A : memref<!tpu.dma_semaphore, #tpu.memory_space<semaphore_mem>>) src(%arg3 : memref<128x128xf32, #tpu.memory_space<hbm>>) dst(%arg7 : memref<128x128xf32, #tpu.memory_space<vmem>>)
      tpu.yield
    }) : () -> ()
    %barrier3A = arith.constant 0 : index
    tpu.barrier barrier_id(%barrier3A)
    %scan3A = arith.constant 0 : i32
    %scan3A_3 = arith.constant 0 : i32
    %scan3A_4 = arith.constant 79 : i32
    %scan3A_5 = arith.addi %scan3A_3, %scan3A_4 : i32
    %scan3A_6 = arith.constant 1 : i32
    scf.for %scan3A_9 = %scan3A_3 to %scan3A_5 step %scan3A_6  : i32 {
      %mul3A_10 = arith.constant 32 : i32
      %mul3A_11 = arith.muli %scan3A_9, %mul3A_10 : i32
      %add3A_12 = arith.addi %add3A, %mul3A_11 : i32
      %lt3A = arith.constant 2500 : i32
      %lt3A_13 = arith.cmpi slt, %add3A_12, %lt3A : i32
      %convert_element_type3A = arith.extui %lt3A_13 : i1 to i32
      %cond3A = arith.constant 0 : i32
      %cond3A_14 = arith.cmpi ne, %convert_element_type3A, %cond3A : i32
      scf.if %cond3A_14 {
        "tpu.region"() ({
          %run_scoped3A = tpu.sem_alloc : memref<!tpu.dma_semaphore, #tpu.memory_space<semaphore_mem>>
          %dma_start3A = arith.constant 0 : i32
          %dma_start3A_15 = tpu.memref_slice %arg2[%add3A_12, %dma_start3A] : memref<2500x128xi32, #tpu.memory_space<hbm>> -> memref<1x128xi32, #tpu.memory_space<hbm>>
          %dma_start3A_16 = tpu.memref_squeeze %dma_start3A_15 : memref<1x128xi32, #tpu.memory_space<hbm>> -> memref<128xi32, #tpu.memory_space<hbm>>
          %dma_start3A_17 = arith.constant 0 : i32
          %dma_start3A_18 = tpu.memref_slice %arg2[%add3A_12, %dma_start3A_17] : memref<2500x128xi32, #tpu.memory_space<hbm>> -> memref<1x128xi32, #tpu.memory_space<hbm>>
          %dma_start3A_19 = tpu.memref_squeeze %dma_start3A_18 : memref<1x128xi32, #tpu.memory_space<hbm>> -> memref<128xi32, #tpu.memory_space<hbm>>
          tpu.enqueue_dma source(%dma_start3A_19 : memref<128xi32, #tpu.memory_space<hbm>>) target(%arg6 : memref<128xi32, #tpu.memory_space<vmem>>) target_semaphore(%run_scoped3A : memref<!tpu.dma_semaphore, #tpu.memory_space<semaphore_mem>>)
          %dma_wait3A = arith.constant 0 : i32
          %dma_wait3A_20 = tpu.memref_slice %arg2[%add3A_12, %dma_wait3A] : memref<2500x128xi32, #tpu.memory_space<hbm>> -> memref<1x128xi32, #tpu.memory_space<hbm>>
          %dma_wait3A_21 = tpu.memref_squeeze %dma_wait3A_20 : memref<1x128xi32, #tpu.memory_space<hbm>> -> memref<128xi32, #tpu.memory_space<hbm>>
          %dma_wait3A_22 = arith.constant 0 : i32
          %dma_wait3A_23 = tpu.memref_slice %arg2[%add3A_12, %dma_wait3A_22] : memref<2500x128xi32, #tpu.memory_space<hbm>> -> memref<1x128xi32, #tpu.memory_space<hbm>>
          %dma_wait3A_24 = tpu.memref_squeeze %dma_wait3A_23 : memref<1x128xi32, #tpu.memory_space<hbm>> -> memref<128xi32, #tpu.memory_space<hbm>>
          tpu.wait_dma2 semaphore(%run_scoped3A : memref<!tpu.dma_semaphore, #tpu.memory_space<semaphore_mem>>) src(%dma_wait3A_24 : memref<128xi32, #tpu.memory_space<hbm>>) dst(%arg6 : memref<128xi32, #tpu.memory_space<vmem>>)
          tpu.yield
        }) : () -> ()
        "tpu.region"() ({
          %run_scoped3A = tpu.sem_alloc : memref<!tpu.dma_semaphore, #tpu.memory_space<semaphore_mem>>
          %dma_start3A = arith.constant 0 : i32
          %dma_start3A_15 = arith.constant 0 : i32
          %dma_start3A_16 = tpu.memref_slice %arg8[%dma_start3A, %dma_start3A_15] : memref<10240x128xf32, #tpu.memory_space<vmem_shared>> -> memref<10240x128xf32, #tpu.memory_space<vmem_shared>>
          tpu.enqueue_indirect_dma source(%arg7 : memref<128x128xf32, #tpu.memory_space<vmem>>) target(%dma_start3A_16 : memref<10240x128xf32, #tpu.memory_space<vmem_shared>>) offsets(%arg6 : memref<128xi32, #tpu.memory_space<vmem>>) semaphore(%run_scoped3A : memref<!tpu.dma_semaphore, #tpu.memory_space<semaphore_mem>>) {add = true}
          %dma_wait3A = arith.constant 0 : i32
          %dma_wait3A_17 = arith.constant 0 : i32
          %dma_wait3A_18 = tpu.memref_slice %arg8[%dma_wait3A, %dma_wait3A_17] : memref<10240x128xf32, #tpu.memory_space<vmem_shared>> -> memref<10240x128xf32, #tpu.memory_space<vmem_shared>>
          tpu.wait_indirect_dma semaphore(%run_scoped3A : memref<!tpu.dma_semaphore, #tpu.memory_space<semaphore_mem>>) src(%arg7 : memref<128x128xf32, #tpu.memory_space<vmem>>) dst(%dma_wait3A_18 : memref<10240x128xf32, #tpu.memory_space<vmem_shared>>)
          tpu.yield
        }) : () -> ()
      } else {
      }
    }
    %scan3A_7 = arith.constant 79 : i32
    %barrier3A_8 = arith.constant 0 : index
    tpu.barrier barrier_id(%barrier3A_8)
    "tpu.region"() ({
      %run_scoped3A = tpu.sem_alloc : memref<!tpu.dma_semaphore, #tpu.memory_space<semaphore_mem>>
      %dma_start3A = arith.constant 0 : i32
      %dma_start3A_9 = tpu.memref_slice %arg5[%arg0, %mul3A_2, %dma_start3A] : memref<2x10240x128xf32, #tpu.memory_space<hbm>> -> memref<1x640x128xf32, #tpu.memory_space<hbm>>
      %dma_start3A_10 = tpu.memref_squeeze %dma_start3A_9 : memref<1x640x128xf32, #tpu.memory_space<hbm>> -> memref<640x128xf32, #tpu.memory_space<hbm>>
      %dma_start3A_11 = arith.constant 0 : i32
      %dma_start3A_12 = tpu.memref_slice %arg8[%mul3A_2, %dma_start3A_11] : memref<10240x128xf32, #tpu.memory_space<vmem_shared>> -> memref<640x128xf32, #tpu.memory_space<vmem_shared>>
      tpu.enqueue_dma source(%dma_start3A_12 : memref<640x128xf32, #tpu.memory_space<vmem_shared>>) target(%dma_start3A_10 : memref<640x128xf32, #tpu.memory_space<hbm>>) target_semaphore(%run_scoped3A : memref<!tpu.dma_semaphore, #tpu.memory_space<semaphore_mem>>)
      %dma_wait3A = arith.constant 0 : i32
      %dma_wait3A_13 = tpu.memref_slice %arg5[%arg0, %mul3A_2, %dma_wait3A] : memref<2x10240x128xf32, #tpu.memory_space<hbm>> -> memref<1x640x128xf32, #tpu.memory_space<hbm>>
      %dma_wait3A_14 = tpu.memref_squeeze %dma_wait3A_13 : memref<1x640x128xf32, #tpu.memory_space<hbm>> -> memref<640x128xf32, #tpu.memory_space<hbm>>
      %dma_wait3A_15 = arith.constant 0 : i32
      %dma_wait3A_16 = tpu.memref_slice %arg8[%mul3A_2, %dma_wait3A_15] : memref<10240x128xf32, #tpu.memory_space<vmem_shared>> -> memref<640x128xf32, #tpu.memory_space<vmem_shared>>
      tpu.wait_dma2 semaphore(%run_scoped3A : memref<!tpu.dma_semaphore, #tpu.memory_space<semaphore_mem>>) src(%dma_wait3A_16 : memref<640x128xf32, #tpu.memory_space<vmem_shared>>) dst(%dma_wait3A_14 : memref<640x128xf32, #tpu.memory_space<hbm>>)
      tpu.yield
    }) : () -> ()
    return
  }
}

module attributes {stable_mosaic.version = 14 : i64} {
  func.func @_layer_body(%arg0: i32, %arg1: memref<2x2000x128xf32, #tpu.memory_space<vmem>>, %arg2: memref<2x2000x1xf32, #tpu.memory_space<vmem>>, %arg3: memref<2000x128xf32, #tpu.memory_space<vmem>>, %arg4: memref<128x128xf32, #tpu.memory_space<vmem>>, %arg5: memref<1x128xf32, #tpu.memory_space<vmem>>, %arg6: memref<128x128xf32, #tpu.memory_space<vmem>>, %arg7: memref<2000x128xf32, #tpu.memory_space<vmem>>) attributes {dimension_semantics = [#tpu.dimension_semantics<arbitrary>], iteration_bounds = array<i64: 5>, scalar_prefetch = 0 : i64, scratch_operands = 0 : i64, tpu.core_type = #tpu.core_type<tc>, window_params = [{transform_indices = @transform_0, window_bounds = array<i64: 2, 2000, 128>}, {transform_indices = @transform_1, window_bounds = array<i64: 2, 2000, 1>}, {transform_indices = @transform_2, window_bounds = array<i64: 2000, 128>}, {pipeline_mode = #tpu.pipeline_mode<synchronous>, transform_indices = @transform_3, window_bounds = array<i64: 128, 128>}, {pipeline_mode = #tpu.pipeline_mode<synchronous>, transform_indices = @transform_4, window_bounds = array<i64: 1, 128>}, {pipeline_mode = #tpu.pipeline_mode<synchronous>, transform_indices = @transform_5, window_bounds = array<i64: 128, 128>}, {transform_indices = @transform_6, window_bounds = array<i64: 2000, 128>}]} {
    %get3A = arith.constant 0 : index
    %get3A_0 = arith.constant 0 : index
    %get3A_1 = arith.constant 0 : index
    %get3A_2 = vector.load %arg2[%get3A, %get3A_0, %get3A_1] : memref<2x2000x1xf32, #tpu.memory_space<vmem>>, vector<1x2000x1xf32>
    %get3A_3 = vector.shape_cast %get3A_2 : vector<1x2000x1xf32> to vector<2000x1xf32>
    %get3A_4 = arith.constant 1 : index
    %get3A_5 = arith.constant 0 : index
    %get3A_6 = arith.constant 0 : index
    %get3A_7 = vector.load %arg2[%get3A_4, %get3A_5, %get3A_6] : memref<2x2000x1xf32, #tpu.memory_space<vmem>>, vector<1x2000x1xf32>
    %get3A_8 = vector.shape_cast %get3A_7 : vector<1x2000x1xf32> to vector<2000x1xf32>
    %add3A = arith.addf %get3A_3, %get3A_8 : vector<2000x1xf32>
    %max3A = arith.constant 1.000000e+00 : f32
    %max3A_9 = vector.broadcast %max3A : f32 to vector<2000x1xf32>
    %max3A_10 = arith.maximumf %add3A, %max3A_9 : vector<2000x1xf32>
    %div3A = arith.constant 1.000000e+00 : f32
    %div3A_11 = vector.broadcast %div3A : f32 to vector<2000x1xf32>
    %div3A_12 = arith.divf %div3A_11, %max3A_10 : vector<2000x1xf32>
    %mul3A = arith.mulf %max3A_10, %div3A_12 : vector<2000x1xf32>
    %sub3A = arith.constant 2.000000e+00 : f32
    %sub3A_13 = vector.broadcast %sub3A : f32 to vector<2000x1xf32>
    %sub3A_14 = arith.subf %sub3A_13, %mul3A : vector<2000x1xf32>
    %mul3A_15 = arith.mulf %div3A_12, %sub3A_14 : vector<2000x1xf32>
    %mul3A_16 = arith.mulf %max3A_10, %mul3A_15 : vector<2000x1xf32>
    %sub3A_17 = arith.constant 2.000000e+00 : f32
    %sub3A_18 = vector.broadcast %sub3A_17 : f32 to vector<2000x1xf32>
    %sub3A_19 = arith.subf %sub3A_18, %mul3A_16 : vector<2000x1xf32>
    %mul3A_20 = arith.mulf %mul3A_15, %sub3A_19 : vector<2000x1xf32>
    %get3A_21 = arith.constant 0 : index
    %get3A_22 = arith.constant 0 : index
    %get3A_23 = arith.constant 0 : index
    %get3A_24 = vector.load %arg1[%get3A_21, %get3A_22, %get3A_23] : memref<2x2000x128xf32, #tpu.memory_space<vmem>>, vector<1x2000x128xf32>
    %get3A_25 = vector.shape_cast %get3A_24 : vector<1x2000x128xf32> to vector<2000x128xf32>
    %get3A_26 = arith.constant 1 : index
    %get3A_27 = arith.constant 0 : index
    %get3A_28 = arith.constant 0 : index
    %get3A_29 = vector.load %arg1[%get3A_26, %get3A_27, %get3A_28] : memref<2x2000x128xf32, #tpu.memory_space<vmem>>, vector<1x2000x128xf32>
    %get3A_30 = vector.shape_cast %get3A_29 : vector<1x2000x128xf32> to vector<2000x128xf32>
    %add3A_31 = arith.addf %get3A_25, %get3A_30 : vector<2000x128xf32>
    %mul3A_32 = vector.broadcast %mul3A_20 : vector<2000x1xf32> to vector<2000x128xf32>
    %mul3A_33 = arith.mulf %add3A_31, %mul3A_32 : vector<2000x128xf32>
    %get3A_34 = arith.constant 0 : index
    %get3A_35 = arith.constant 0 : index
    %get3A_36 = vector.load %arg4[%get3A_34, %get3A_35] : memref<128x128xf32, #tpu.memory_space<vmem>>, vector<128x128xf32>
    %dot_general3A = arith.constant dense<0.000000e+00> : vector<2000x128xf32>
    %dot_general3A_37 = tpu.matmul %mul3A_33, %get3A_36, %dot_general3A {dimension_numbers = #tpu.dot_dimension_numbers<[1], [0], [0], [1], [0, 0, 1, 1], [], []>, transpose_lhs_hint = false} : vector<2000x128xf32>, vector<128x128xf32>, vector<2000x128xf32> -> vector<2000x128xf32>
    %get3A_38 = arith.constant 0 : index
    %get3A_39 = arith.constant 0 : index
    %get3A_40 = vector.load %arg5[%get3A_38, %get3A_39] : memref<1x128xf32, #tpu.memory_space<vmem>>, vector<1x128xf32>
    %add3A_41 = vector.broadcast %get3A_40 : vector<1x128xf32> to vector<2000x128xf32>
    %add3A_42 = arith.addf %dot_general3A_37, %add3A_41 : vector<2000x128xf32>
    %get3A_43 = arith.constant 0 : index
    %get3A_44 = arith.constant 0 : index
    %get3A_45 = vector.load %arg3[%get3A_43, %get3A_44] : memref<2000x128xf32, #tpu.memory_space<vmem>>, vector<2000x128xf32>
    %get3A_46 = arith.constant 0 : index
    %get3A_47 = arith.constant 0 : index
    %get3A_48 = vector.load %arg6[%get3A_46, %get3A_47] : memref<128x128xf32, #tpu.memory_space<vmem>>, vector<128x128xf32>
    %dot_general3A_49 = arith.constant dense<0.000000e+00> : vector<2000x128xf32>
    %dot_general3A_50 = tpu.matmul %get3A_45, %get3A_48, %dot_general3A_49 {dimension_numbers = #tpu.dot_dimension_numbers<[1], [0], [0], [1], [0, 0, 1, 1], [], []>, transpose_lhs_hint = false} : vector<2000x128xf32>, vector<128x128xf32>, vector<2000x128xf32> -> vector<2000x128xf32>
    %add3A_51 = arith.addf %add3A_42, %dot_general3A_50 : vector<2000x128xf32>
    %max3A_52 = arith.constant 0.000000e+00 : f32
    %max3A_53 = vector.broadcast %max3A_52 : f32 to vector<2000x128xf32>
    %max3A_54 = arith.maximumf %add3A_51, %max3A_53 : vector<2000x128xf32>
    %swap3A = arith.constant 0 : index
    %swap3A_55 = arith.constant 0 : index
    %swap3A_56 = vector.load %arg7[%swap3A, %swap3A_55] : memref<2000x128xf32, #tpu.memory_space<vmem>>, vector<2000x128xf32>
    tpu.vector_store %arg7[%swap3A, %swap3A_55], %max3A_54 {strides = array<i32>} : memref<2000x128xf32, #tpu.memory_space<vmem>>, vector<2000x128xf32>,
    return
  }
  func.func @transform_0(%arg0: i32) -> (i32, i32, i32) {
    %c0_i32 = arith.constant 0 : i32
    %c0_i32_0 = arith.constant 0 : i32
    %c0_i32_1 = arith.constant 0 : i32
    return %c0_i32, %arg0, %c0_i32_0 : i32, i32, i32
  }
  func.func @transform_1(%arg0: i32) -> (i32, i32, i32) {
    %c0_i32 = arith.constant 0 : i32
    %c0_i32_0 = arith.constant 0 : i32
    %c0_i32_1 = arith.constant 0 : i32
    return %c0_i32, %arg0, %c0_i32_0 : i32, i32, i32
  }
  func.func @transform_2(%arg0: i32) -> (i32, i32) {
    %c0_i32 = arith.constant 0 : i32
    %c0_i32_0 = arith.constant 0 : i32
    return %arg0, %c0_i32 : i32, i32
  }
  func.func @transform_3(%arg0: i32) -> (i32, i32) {
    %c0_i32 = arith.constant 0 : i32
    %c0_i32_0 = arith.constant 0 : i32
    %c0_i32_1 = arith.constant 0 : i32
    return %c0_i32, %c0_i32_0 : i32, i32
  }
  func.func @transform_4(%arg0: i32) -> (i32, i32) {
    %c0_i32 = arith.constant 0 : i32
    %c0_i32_0 = arith.constant 0 : i32
    %c0_i32_1 = arith.constant 0 : i32
    return %c0_i32, %c0_i32_0 : i32, i32
  }
  func.func @transform_5(%arg0: i32) -> (i32, i32) {
    %c0_i32 = arith.constant 0 : i32
    %c0_i32_0 = arith.constant 0 : i32
    %c0_i32_1 = arith.constant 0 : i32
    return %c0_i32, %c0_i32_0 : i32, i32
  }
  func.func @transform_6(%arg0: i32) -> (i32, i32) {
    %c0_i32 = arith.constant 0 : i32
    %c0_i32_0 = arith.constant 0 : i32
    return %arg0, %c0_i32 : i32, i32
  }
}

module attributes {stable_mosaic.version = 14 : i64} {
  func.func @_pool_body(%arg0: memref<10000x128xf32, #tpu.memory_space<vmem>>, %arg1: memref<10000x1xi32, #tpu.memory_space<vmem>>, %arg2: memref<128x1xf32, #tpu.memory_space<vmem>>, %arg3: memref<1x1xf32, #tpu.memory_space<vmem>>, %arg4: memref<128x128xf32, #tpu.memory_space<vmem>>, %arg5: memref<1x128xf32, #tpu.memory_space<vmem>>, %arg6: memref<128x1xf32, #tpu.memory_space<vmem>>, %arg7: memref<1x1xf32, #tpu.memory_space<vmem>>, %arg8: memref<64x1xf32, #tpu.memory_space<vmem>>) attributes {dimension_semantics = [], scalar_prefetch = 0 : i64, scratch_operands = 0 : i64, tpu.core_type = #tpu.core_type<tc>} {
    %get3A = arith.constant 0 : index
    %get3A_0 = arith.constant 0 : index
    %get3A_1 = vector.load %arg0[%get3A, %get3A_0] : memref<10000x128xf32, #tpu.memory_space<vmem>>, vector<10000x128xf32>
    %get3A_2 = arith.constant 0 : index
    %get3A_3 = arith.constant 0 : index
    %get3A_4 = vector.load %arg2[%get3A_2, %get3A_3] : memref<128x1xf32, #tpu.memory_space<vmem>>, vector<128x1xf32>
    %dot_general3A = arith.constant dense<0.000000e+00> : vector<10000x1xf32>
    %dot_general3A_5 = tpu.matmul %get3A_1, %get3A_4, %dot_general3A {dimension_numbers = #tpu.dot_dimension_numbers<[1], [0], [0], [1], [0, 0, 1, 1], [], []>, transpose_lhs_hint = false} : vector<10000x128xf32>, vector<128x1xf32>, vector<10000x1xf32> -> vector<10000x1xf32>
    %get3A_6 = arith.constant 0 : index
    %get3A_7 = arith.constant 0 : index
    %get3A_8 = vector.load %arg3[%get3A_6, %get3A_7] : memref<1x1xf32, #tpu.memory_space<vmem>>, vector<1x1xf32>
    %add3A = vector.broadcast %get3A_8 : vector<1x1xf32> to vector<10000x1xf32>
    %add3A_9 = arith.addf %dot_general3A_5, %add3A : vector<10000x1xf32>
    %get3A_10 = arith.constant 0 : index
    %get3A_11 = arith.constant 0 : index
    %get3A_12 = vector.load %arg1[%get3A_10, %get3A_11] : memref<10000x1xi32, #tpu.memory_space<vmem>>, vector<10000x1xi32>
    %iota3A = tpu.iota {dimensions = array<i32: 1>} : vector<10000x64xi32>
    %eq3A = vector.broadcast %get3A_12 : vector<10000x1xi32> to vector<10000x64xi32>
    %eq3A_13 = arith.cmpi eq, %eq3A, %iota3A : vector<10000x64xi32>
    %jit3A = arith.constant -3.000000e+38 : f32
    %broadcast_in_dim3A = vector.shape_cast %add3A_9 : vector<10000x1xf32> to vector<10000x1xf32>
    %broadcast_in_dim3A_14 = vector.broadcast %broadcast_in_dim3A : vector<10000x1xf32> to vector<10000x64xf32>
    %broadcast_in_dim3A_15 = vector.broadcast %jit3A : f32 to vector<10000x64xf32>
    %select_n3A = arith.select %eq3A_13, %broadcast_in_dim3A_14, %broadcast_in_dim3A_15 : vector<10000x64xi1>, vector<10000x64xf32>
    %reduce_max3A = arith.constant dense<0xFF800000> : vector<64xf32>
    %reduce_max3A_16 = vector.multi_reduction <maximumf>, %select_n3A, %reduce_max3A [0] : vector<10000x64xf32> to vector<64xf32>
    %broadcast_in_dim3A_17 = vector.shape_cast %reduce_max3A_16 : vector<64xf32> to vector<1x64xf32>
    %sub3A = vector.broadcast %add3A_9 : vector<10000x1xf32> to vector<10000x64xf32>
    %sub3A_18 = vector.broadcast %broadcast_in_dim3A_17 : vector<1x64xf32> to vector<10000x64xf32>
    %sub3A_19 = arith.subf %sub3A, %sub3A_18 : vector<10000x64xf32>
    %exp3A = math.exp %sub3A_19 : vector<10000x64xf32>
    %jit3A_20 = arith.constant 0.000000e+00 : f32
    %broadcast_in_dim3A_21 = vector.broadcast %jit3A_20 : f32 to vector<10000x64xf32>
    %select_n3A_22 = arith.select %eq3A_13, %exp3A, %broadcast_in_dim3A_21 : vector<10000x64xi1>, vector<10000x64xf32>
    %reduce_sum3A = arith.constant dense<0.000000e+00> : vector<64xf32>
    %reduce_sum3A_23 = vector.multi_reduction <add>, %select_n3A_22, %reduce_sum3A [0] : vector<10000x64xf32> to vector<64xf32>
    %broadcast_in_dim3A_24 = vector.shape_cast %reduce_sum3A_23 : vector<64xf32> to vector<1x64xf32>
    %gt3A = arith.constant 0.000000e+00 : f32
    %gt3A_25 = vector.broadcast %gt3A : f32 to vector<1x64xf32>
    %gt3A_26 = arith.cmpf ogt, %broadcast_in_dim3A_24, %gt3A_25 : vector<1x64xf32>
    %jit3A_27 = arith.constant 1.000000e+00 : f32
    %broadcast_in_dim3A_28 = vector.broadcast %jit3A_27 : f32 to vector<1x64xf32>
    %select_n3A_29 = arith.select %gt3A_26, %broadcast_in_dim3A_24, %broadcast_in_dim3A_28 : vector<1x64xi1>, vector<1x64xf32>
    %div3A = arith.constant 1.000000e+00 : f32
    %div3A_30 = vector.broadcast %div3A : f32 to vector<1x64xf32>
    %div3A_31 = arith.divf %div3A_30, %select_n3A_29 : vector<1x64xf32>
    %mul3A = arith.mulf %select_n3A_29, %div3A_31 : vector<1x64xf32>
    %sub3A_32 = arith.constant 2.000000e+00 : f32
    %sub3A_33 = vector.broadcast %sub3A_32 : f32 to vector<1x64xf32>
    %sub3A_34 = arith.subf %sub3A_33, %mul3A : vector<1x64xf32>
    %mul3A_35 = arith.mulf %div3A_31, %sub3A_34 : vector<1x64xf32>
    %mul3A_36 = arith.mulf %select_n3A_29, %mul3A_35 : vector<1x64xf32>
    %sub3A_37 = arith.constant 2.000000e+00 : f32
    %sub3A_38 = vector.broadcast %sub3A_37 : f32 to vector<1x64xf32>
    %sub3A_39 = arith.subf %sub3A_38, %mul3A_36 : vector<1x64xf32>
    %mul3A_40 = arith.mulf %mul3A_35, %sub3A_39 : vector<1x64xf32>
    %mul3A_41 = vector.broadcast %mul3A_40 : vector<1x64xf32> to vector<10000x64xf32>
    %mul3A_42 = arith.mulf %select_n3A_22, %mul3A_41 : vector<10000x64xf32>
    %dot_general3A_43 = arith.constant dense<0.000000e+00> : vector<64x128xf32>
    %dot_general3A_44 = tpu.matmul %mul3A_42, %get3A_1, %dot_general3A_43 {dimension_numbers = #tpu.dot_dimension_numbers<[0], [0], [1], [1], [0, 1, 1, 1], [], []>, precision = #tpu.contract_precision<fp32>, transpose_lhs_hint = false} : vector<10000x64xf32>, vector<10000x128xf32>, vector<64x128xf32> -> vector<64x128xf32>
    %get3A_45 = arith.constant 0 : index
    %get3A_46 = arith.constant 0 : index
    %get3A_47 = vector.load %arg4[%get3A_45, %get3A_46] : memref<128x128xf32, #tpu.memory_space<vmem>>, vector<128x128xf32>
    %dot_general3A_48 = arith.constant dense<0.000000e+00> : vector<64x128xf32>
    %dot_general3A_49 = tpu.matmul %dot_general3A_44, %get3A_47, %dot_general3A_48 {dimension_numbers = #tpu.dot_dimension_numbers<[1], [0], [0], [1], [0, 0, 1, 1], [], []>, transpose_lhs_hint = false} : vector<64x128xf32>, vector<128x128xf32>, vector<64x128xf32> -> vector<64x128xf32>
    %get3A_50 = arith.constant 0 : index
    %get3A_51 = arith.constant 0 : index
    %get3A_52 = vector.load %arg5[%get3A_50, %get3A_51] : memref<1x128xf32, #tpu.memory_space<vmem>>, vector<1x128xf32>
    %add3A_53 = vector.broadcast %get3A_52 : vector<1x128xf32> to vector<64x128xf32>
    %add3A_54 = arith.addf %dot_general3A_49, %add3A_53 : vector<64x128xf32>
    %max3A = arith.constant 0.000000e+00 : f32
    %max3A_55 = vector.broadcast %max3A : f32 to vector<64x128xf32>
    %max3A_56 = arith.maximumf %add3A_54, %max3A_55 : vector<64x128xf32>
    %get3A_57 = arith.constant 0 : index
    %get3A_58 = arith.constant 0 : index
    %get3A_59 = vector.load %arg6[%get3A_57, %get3A_58] : memref<128x1xf32, #tpu.memory_space<vmem>>, vector<128x1xf32>
    %dot_general3A_60 = arith.constant dense<0.000000e+00> : vector<64x1xf32>
    %dot_general3A_61 = tpu.matmul %max3A_56, %get3A_59, %dot_general3A_60 {dimension_numbers = #tpu.dot_dimension_numbers<[1], [0], [0], [1], [0, 0, 1, 1], [], []>, transpose_lhs_hint = false} : vector<64x128xf32>, vector<128x1xf32>, vector<64x1xf32> -> vector<64x1xf32>
    %get3A_62 = arith.constant 0 : index
    %get3A_63 = arith.constant 0 : index
    %get3A_64 = vector.load %arg7[%get3A_62, %get3A_63] : memref<1x1xf32, #tpu.memory_space<vmem>>, vector<1x1xf32>
    %add3A_65 = vector.broadcast %get3A_64 : vector<1x1xf32> to vector<64x1xf32>
    %add3A_66 = arith.addf %dot_general3A_61, %add3A_65 : vector<64x1xf32>
    %swap3A = arith.constant 0 : index
    %swap3A_67 = arith.constant 0 : index
    %swap3A_68 = vector.load %arg8[%swap3A, %swap3A_67] : memref<64x1xf32, #tpu.memory_space<vmem>>, vector<64x1xf32>
    tpu.vector_store %arg8[%swap3A, %swap3A_67], %add3A_66 {strides = array<i32>} : memref<64x1xf32, #tpu.memory_space<vmem>>, vector<64x1xf32>,
    return
  }
}

</mosaic_0001>

<sc_bundles>
// kernel: kernel.10.cloned.1.call-start
scs
__scs_entry_jumppad:
0x0: {  	(pc) =	sbr.rel $0x88, $3  }
0x1: {  	(tag) =	ssettag $0x0;
	lr =	simm.s32 $0x1  }
0x2: {  	[smem:$0x3F8F] =	sst lr;
	_ =	strace $0xD0000000  }
0x3: {  	_ = 	snop  }
0x4: {  	_ = 	snop  }
0x5: {  	_ = 	snop  }
0x6: {  	_ = 	snop  }
0x7: {  	_ = 	snop  }
__scs_overlays_trampoline_lowered:
0x8: {  	[smem:$0x3F9E] =	sst s0  }
0x9: {  	[smem:$0x3F9F] =	sst s1  }
0xa: {  	[smem:$0x3FA0] =	sst s2  }
0xb: {  	[smem:$0x3FA1] =	sst s3  }
0xc: {  	[smem:$0x3FA2] =	sst s4  }
0xd: {  	[smem:$0x3FA3] =	sst s5  }
0xe: {  	[smem:$0x3FA4] =	sst s6  }
0xf: {  	[smem:$0x3FA5] =	sst s7  }
0x10: {  	[smem:$0x3FA6] =	sst s8  }
0x11: {  	[smem:$0x3FA7] =	sst s9;
	s0 =	simm.s32 @!p0 $0x0  }
0x12: {  	s1 =	sld [smem:$0x3F8D];
	s0 =	simm.s32 @p0 $0x1  }
0x13: {  	[smem:$0x3FA8] =	sst s0;
	s0 =	simm.s32 @!p1 $0x0  }
0x14: {  	s2 =	sld [smem:$0x3F8C];
	s0 =	simm.s32 @p1 $0x1  }
0x15: {  	[smem:$0x3FA9] =	sst s0;
	s0 =	simm.s32 @!p2 $0x0  }
0x16: {  	s3 =	sld [smem:$0x3FDB];
	s0 =	simm.s32 @p2 $0x1  }
0x17: {  	s4 =	simm.s32 $0x1BF5;
	[smem:$0x3FAB] =	sst s0  }
0x18: {  	s0 =	sld [smem:$0x3F8E];
	_ =	swait.ge [sflag:s4], $0x0  }
0x19: {  	s7 =	sld [smem:$0x3F8F]  }
0x1a: {  	s8 =	sadd.s32 $0xFFFFE003, lr  }
0x1b: {  	s9 =	sadd.s32 $0xFFFFFEF7, lr;
	s5 =	simm.s32 $0xFFFFFFFF;
	p2 =	slt.u32 s8, $0xFFFFF086  }
0x1c: {  	p1 =	slt.u32 s9, $0xF7A;
	s5 =	simm.s32 @!p2 $0x0  }
0x1d: {  	s5 =	simm.s32 @p1 $0x1;
	p0 =	seq.s32 s7, s2  }
0x1e: {  	s7 =	smul.u32 @!p0 $0xF7A, s2;
	p2 =	seq.s32 @!p0 s5, $0x0  }
0x1f: {  	s9 =	smul.u32 $0xF7A, s1;
	s8 =	simm.s32 @!p0 $0x1BF5;
	p2 =	por !p2, p0  }
0x20: {  	[sflag:s8] =	ssyncset.s32 @!p0 $0xFFFFF086;
	s6 =	sadd.s32 @!p0 s3, s7;
	s7 =	simm.s32 @!p0 $0x108  }
0x21: {  	s3 =	sadd.s32 s3, s9;
	s6 =	sadd.s32 @!p0 $0x88, s6;
	s7 =	simm.s32 @p2 $0x1082  }
0x22: {  	[simem:s7], [sflag:s8] =	dma.local @!p0 [hbm:s6], $0xF7A  }
0x23: {  	s9 =	sor.u32 $0xD0000000, s2;
	s6 =	simm.s32 $0x108;
	_ =	swait.ge @!p0 [sflag:s8], $0x0  }
0x24: {  	s3 =	sadd.s32 $0x88, s3;
	s6 =	simm.s32 @!p1 $0x1082;
	[sflag:s4] =	ssyncset.s32 $0xFFFFF086  }
0x25: {  	[simem:s6], [sflag:s4] =	dma.local [hbm:s3], $0xF7A  }
0x26: {  	[smem:$0x3F8F] =	sst s1;
	(tag) =	ssettag s2;
	_ =	strace s9  }
0x27: {  	s1 =	sld [smem:$0x3F9F]  }
0x28: {  	s2 =	sld [smem:$0x3FA0]  }
0x29: {  	s4 =	sld [smem:$0x3FA2]  }
0x2a: {  	p0 =	seq.s32 s5, $0x0;
	s5 =	sld [smem:$0x3FA3]  }
0x2b: {  	s6 =	sld [smem:$0x3FA4]  }
0x2c: {  	s7 =	sld [smem:$0x3FA5]  }
0x2d: {  	s3 =	simm.s32 $0x108;
	s8 =	sld [smem:$0x3FA6]  }
0x2e: {  	s3 =	simm.s32 @!p0 $0x1082;
	s9 =	sld [smem:$0x3FA7]  }
0x2f: {  	lr =	sadd.s32 s0, s3;
	s0 =	sld [smem:$0x3F9E]  }
0x30: {  	s3 =	sld [smem:$0x3FA1]  }
0x31: {  	[smem:$0x3FAA] =	sst s10  }
0x32: {  	s10 =	sld [smem:$0x3FA8];
	_ =	sdelay $0x3  }
0x33: {  	p0 =	seq.s32 s10, $0x1;
	s10 =	sld [smem:$0x3FAA];
	_ =	sdelay $0x3  }
0x34: {  	[smem:$0x3FAA] =	sst s10  }
0x35: {  	s10 =	sld [smem:$0x3FA9];
	_ =	sdelay $0x3  }
0x36: {  	p1 =	seq.s32 s10, $0x1;
	s10 =	sld [smem:$0x3FAA];
	_ =	sdelay $0x3  }
0x37: {  	[smem:$0x3FAA] =	sst s10  }
0x38: {  	s10 =	sld [smem:$0x3FAB]  }
0x39: {  	_ = 	snop;
	(pc) =	sbr.ind lr, $3  }
0x3a: {  	_ = 	snop  }
0x3b: {  	_ = 	snop  }
0x3c: {  	p2 =	seq.s32 s10, $0x1;
	s10 =	sld [smem:$0x3FAA]  }
0x3d: {  	_ =	shalt  }
0x3e: {  	_ =	shalt  }
0x3f: {  	_ =	shalt  }
0x40: {  	_ =	shalt  }
0x41: {  	_ =	shalt  }
0x42: {  	_ =	shalt  }
0x43: {  	_ =	shalt  }
0x44: {  	_ =	shalt  }
0x45: {  	_ =	shalt  }
0x46: {  	_ =	shalt  }
0x47: {  	_ =	shalt  }
0x48: {  	_ =	shalt  }
0x49: {  	_ =	shalt  }
0x4a: {  	_ =	shalt  }
0x4b: {  	_ =	shalt  }
0x4c: {  	_ =	shalt  }
0x4d: {  	_ =	shalt  }
0x4e: {  	_ =	shalt  }
0x4f: {  	_ =	shalt  }
0x50: {  	_ =	shalt  }
0x51: {  	_ =	shalt  }
0x52: {  	_ =	shalt  }
0x53: {  	_ =	shalt  }
0x54: {  	_ =	shalt  }
0x55: {  	_ =	shalt  }
0x56: {  	_ =	shalt  }
0x57: {  	_ =	shalt  }
0x58: {  	_ =	shalt  }
0x59: {  	_ =	shalt  }
0x5a: {  	_ =	shalt  }
0x5b: {  	_ =	shalt  }
0x5c: {  	_ =	shalt  }
0x5d: {  	_ =	shalt  }
0x5e: {  	_ =	shalt  }
0x5f: {  	_ =	shalt  }
0x60: {  	_ =	shalt  }
0x61: {  	_ =	shalt  }
0x62: {  	_ =	shalt  }
0x63: {  	_ =	shalt  }
0x64: {  	_ =	shalt  }
0x65: {  	_ =	shalt  }
0x66: {  	_ =	shalt  }
0x67: {  	_ =	shalt  }
0x68: {  	_ =	shalt  }
0x69: {  	_ =	shalt  }
0x6a: {  	_ =	shalt  }
0x6b: {  	_ =	shalt  }
0x6c: {  	_ =	shalt  }
0x6d: {  	_ =	shalt  }
0x6e: {  	_ =	shalt  }
0x6f: {  	_ =	shalt  }
0x70: {  	_ =	shalt  }
0x71: {  	_ =	shalt  }
0x72: {  	_ =	shalt  }
0x73: {  	_ =	shalt  }
0x74: {  	_ =	shalt  }
0x75: {  	_ =	shalt  }
0x76: {  	_ =	shalt  }
0x77: {  	_ =	shalt  }
0x78: {  	_ =	shalt  }
0x79: {  	_ =	shalt  }
0x7a: {  	_ =	shalt  }
0x7b: {  	_ =	shalt  }
0x7c: {  	_ =	shalt  }
0x7d: {  	_ =	shalt  }
0x7e: {  	_ =	shalt  }
0x7f: {  	_ =	shalt  }
0x80: {  	_ =	shalt  }
0x81: {  	_ =	shalt  }
0x82: {  	_ =	shalt  }
0x83: {  	_ =	shalt  }
0x84: {  	_ =	shalt  }
0x85: {  	_ =	shalt  }
0x86: {  	_ =	shalt  }
0x87: {  	_ =	shalt  }
.Lfunc_end0:
.L_simem_size_0:
called_computation_lowered:
.L_overlay_start_0:
0x88: {  	s2 =	sld [smem:$0x3FD9]  }
0x89: {  	s3 =	sld [smem:$0x3FFE];
	_ =	sdelay $0x1  }
0x8a: {  	s1 =	srdreg.scid  }
0x8b: {  	s0 =	sand.u32 $0x1, s1  }
0x8c: {  	s17 =	sshll.u32 s0, $0xA;
	s2 =	sadd.s32 s3, s2  }
0x8d: {  	s2 =	sadd.s32 s2, s17  }
0x8e: {  	[smem:$0x3FB6] =	sst s2  }
0x8f: {  	_ = 	snop  }
0x90: {  	(tm) =	ssettm $0x1  }
0x91: {  	s18 =	sld [smem:$0x3FFB];
	_ =	sdelay $0x3  }
0x92: {  	_ =	strace s18  }
0x93: {  	s2 =	sld [smem:$0x3FFC];
	_ =	sdelay $0x3  }
0x94: {  	_ =	strace s2  }
0x95: {  	s2 =	sld [smem:$0x3FFD];
	_ =	sdelay $0x3  }
0x96: {  	_ =	strace s2  }
0x97: {  	_ =	strace $0x8FFFFFFF  }
0x98: {  	s19 =	sld [smem:$0x3FDB];
	_ =	sdelay $0x1  }
0x99: {  	s20 =	simm.s32 $_scs_section_size  }
0x9a: {  	s4 =	simm.s32 $_size__tile_overlayer_lowered;
	s5 =	simm.s32 $_tile_overlayer_lowered  }
0x9b: {  	s6 =	simm.s32 $0x1BFF;
	s21 =	sshll.u32 s5, $0x1;
	s3 =	sadd.s32 s20, s19  }
0x9c: {  	s22 =	simm.s32 $0x0;
	s4 =	sshll.u32 s4, $0x1;
	s5 =	sadd.s32 s21, s3  }
0x9d: {  	[timem:s22], [sflag:s6] =	dma.local [hbm:s5], s4  }
0x9e: {  	_ =	swait.ge [sflag:s6], s4  }
0x9f: {  	s4 =	ssub.s32 $0x0, s4;
	[sflag:s6] =	ssyncset.done $0x0  }
0xa0: {  	[sflag:s6] =	ssyncadd.s32 s4;
	_ =	sdelay $0x1  }
0xa1: {  	s23 =	simm.s32 $0x1B8B  }
0xa2: {  	_ =	swait.ge [sflag:s23], $0x1  }
0xa3: {  	[sflag:s23] =	ssyncset.done $0x0  }
0xa4: {  	[sflag:s23] =	ssyncadd.s32 $0xFFFFFFFF  }
0xa5: {  	s4 =	sld [smem:$0x0]  }
0xa6: {  	s5 =	sand.u32 $0xFFFFFFFE, s1  }
0xa7: {  	p0 =	sne.s32 s1, s5  }
0xa8: {  	s5 =	sshll.u32 @p0 s5, $0xE  }
0xa9: {  	s5 =	sadd.s32 @p0 $0x11B8D, s5;
	s6 =	sshll.u32 @p0 s4, $0x11  }
0xaa: {  	s5 =	sor.u32 @p0 s6, s5  }
0xab: {  	[sflag:s5] =	ssyncadd.remote.s32 @p0 $0x1;
	_ =	sdelay $0x1  }
0xac: {  	s5 =	simm.s32 @p0 $0x1B8D  }
0xad: {  	_ =	swait.eq @p0 [sflag:s5], $0x1  }
0xae: {  	[sflag:s5] =	ssyncadd.s32 @p0 $0xFFFFFFFF  }
0xaf: {  	s6 =	sshll.u32 @!p0 s1, $0xE  }
0xb0: {  	s6 =	sor.u32 @!p0 $0x4000, s6;
	s5 =	simm.s32 @!p0 $0x1B8D  }
0xb1: {  	s4 =	sshll.u32 @!p0 s4, $0x11;
	s6 =	sadd.s32 @!p0 $0x11B8D, s6;
	_ =	swait.eq @!p0 [sflag:s5], $0x1  }
0xb2: {  	s4 =	sor.u32 @!p0 s4, s6;
	[sflag:s5] =	ssyncadd.s32 @!p0 $0xFFFFFFFF  }
0xb3: {  	s25 =	simm.s32 $0x1B8E;
	s24 =	sld [smem:$0x3FFE];
	[sflag:s4] =	ssyncadd.remote.s32 @!p0 $0x1  }
0xb4: {  	s26 =	simm.s32 $execute0_lowered;
	[smem:$0x3FD2] =	sst s25  }
0xb5: {  	s5 =	sshll.u32 s26, $0x1;
	_ =	strace $0x80000049;
	[dreg:$0x1] =	wrdreg $0xFFFFFFFF  }
0xb6: {  	s28 =	simm.s32 $_size_execute0_lowered;
	s3 =	sadd.s32 s3, s5;
	[dreg:$0x0] =	wrdreg $0x0  }
0xb7: {  	s5 =	sshll.u32 s28, $0x1;
	[dreg:$0x2] =	wrdreg s3  }
0xb8: {  	[dreg:$0x3] =	wrdreg s5  }
0xb9: {  	[dreg:$0x4] =	wrdreg $0xC0  }
0xba: {  	_ =	task [dreg:s22], $0x5FFFF  }
0xbb: {  	[dreg:$0x1] =	wrdreg $0xFFFFFFFF  }
0xbc: {  	[dreg:$0x0] =	wrdreg $0x60  }
0xbd: {  	[dreg:$0x2] =	wrdreg s24  }
0xbe: {  	[dreg:$0x3] =	wrdreg $0x40800  }
0xbf: {  	[dreg:$0x4] =	wrdreg $0x9  }
0xc0: {  	_ =	task.clear_ibuf [dreg:s22], $0x5FFFF;
	_ =	strace $0x90000049  }
0xc1: {  	s29 =	simm.s32 $0x9;
	_ =	strace $0x8000004B  }
0xc2: {  	_ =	swait.ge [sflag:s29], $0x1  }
0xc3: {  	[sflag:s29] =	ssyncadd.s32 $0xFFFFFFFF  }
0xc4: {  	_ =	strace $0x9000004B  }
0xc5: {  	_ =	sfence  }
0xc6: {  	s30 =	sld [smem:$0x0];
	_ =	sdelay $0x2  }
0xc7: {  	s31 =	sshll.u32 s1, $0xD;
	s1 =	sshrl.u32 s1, $0x2  }
0xc8: {  	s4 =	sand.u32 $0x4000, s31;
	s1 =	sadd.s32 s1, s30  }
0xc9: {  	s0 =	sor.u32 s4, s0;
	s1 =	sshll.u32 s1, $0x11  }
0xca: {  	s0 =	sor.u32 s1, s0  }
0xcb: {  	s0 =	sadd.s32 $0x8F2B, s0  }
0xcc: {  	[sflag:s0] =	ssyncadd.remote.s32 $0x1  }
0xcd: {  	_ =	sfence.sel $0xFFFF  }
0xce: {  	[dreg:$0x0] =	wrdreg $0xFFFFFFFF;
	(pc) =	sbr.abs _section_cstart, $3  }
0xcf: {  	[dreg:$0x1] =	wrdreg $0xFFFFFFFF  }
0xd0: {  	_ =	task.clear_ibuf [dreg:s22], $0x2FFFF;
	_ =	strace $0x9FFFFFFF  }
0xd1: {  	(tm) =	ssettm $0x7FFFFFFF  }
tec
execute0_lowered:
.L_overlay_start_1:
0x0: {  	(tag) =	ssettag $0x1  }
0x1: {  	s5 =	rddreg [dreg:$0x0]  }
0x2: {  	s2 =	rddreg [dreg:$0x1];
	s3 =	srdreg.scid  }
0x3: {  	s0 =	rddreg [dreg:$0x2];
	s1 =	stileid.u32;
	s10 =	sand.u32 $0x1, s3  }
0x4: {  	s3 =	simm.s32 $0x0;
	s4 =	sshll.u32 s1, $0x5;
	s24 =	smul.u32 $0x14000, s1  }
0x5: {  	s12 =	smul.u32 $0x50000, s1;
	s28 =	sshll.u32 s1, $0x1;
	s30 =	sshll.u32 s1, $0x6  }
0x6: {  	s6 =	sshll.u32 s10, $0x4;
	[smem:$0x7FF] =	sst s3;
	s8 =	smul.u32 $0x140000, s10  }
0x7: {  	s25 =	ssub.s32 $0x2, s10;
	s10 =	sor.u32 s10, s28;
	s7 =	sor.u32 s6, s4  }
0x8: {  	_ =	strace $0x8000004A;
	s11 =	sshrl.u32 s24, $0x3;
	s13 =	sshrl.u32 s25, $0x1  }
0x9: {  	s26 =	sshrl.u32 s12, $0x2;
	s12 =	simm.s32 $0x1;
	s4 =	sand.u32 $0x180, s7  }
0xa: {  	s6 =	sadd.s32 s24, s8;
	s11 =	sadd.s32 s11, s5;
	s8 =	ssub.s32 s25, s13  }
0xb: {  	s29 =	sadd.s32 s26, s2;
	s31 =	sand.u32 $0x70, s7;
	s13 =	simm.s32 $0x80  }
0xc: {  	s9 =	sadd.s32 s4, s5;
	s4 =	sadd.s32 $0x99800, s5;
	s6 =	sshrl.u32 s6, $0x3  }
0xd: {  	s8 =	smax.u32 s8, $0x1;
	s14 =	sadd.s32 s6, s5;
	s5 =	sadd.s32 $0x21800, s11  }
0xe: {  	s6 =	sor.u32 $0x1C01, s30;
	s9 =	sadd.s32 s31, s9;
	s11 =	sshrl.u32 s29, $0x3  }
0xf: {  	s7 =	sadd.s32 $0x9A000, s14;
	s9 =	sadd.s32 $0x4000, s9;
	s14 =	simm.s32 $0x0  }
.LBB2_1:
0x10: {  	[spmem:s11], [sflag:s6] =	dma.local [hbm:s5], $0x2800  }
0x11: {  	_ =	swait.ge [sflag:s12], $0x2800  }
0x12: {  	[sflag:s12] =	ssyncset.done $0x0  }
0x13: {  	[sflag:s12] =	ssyncadd.s32 $0xFFFFD800  }
0x14: {  	[tilespmem:s13], [sflag:$0x1] =	stream.linear.gather [hbm4b:s4+s3], $0x4000, $0x38;
	[tilespmem:$0x18080] =	vst v63  }
0x15: {  	_ =	swait.ge [sflag:s12], $0x4000  }
0x16: {  	s15 =	sadd.s32 $0x0, s10;
	[sflag:s12] =	ssyncset.done $0x0  }
0x17: {  	p0 =	sgt.u32 s15, $0x9C3;
	[sflag:s12] =	ssyncadd.s32 $0xFFFFC000  }
0x18: {  	s16 =	simm.s32 @!p0 $0x0;
	s17 =	simm.s32 @!p0 $0x2;
	[bflag:$0x0] =	sbarrier.arrive $0xFFFF  }
0x19: {  	[tilespmem:s16], [sflag:$0x2] =	stream.linear.gather @!p0 [hbm4b:s9+s16], $0x80, $0x38;
	[tilespmem:$0x18080] =	vst v63  }
0x1a: {  	_ =	swait.ge @!p0 [sflag:s17], $0x80  }
0x1b: {  	s31 =	sadd.s32 $0x20, s10;
	[sflag:s17] =	ssyncset.done @!p0 $0x0  }
0x1c: {  	s18 =	simm.s32 @!p0 $0x80;
	[sflag:s17] =	ssyncadd.s32 @!p0 $0xFFFFFF80;
	s17 =	simm.s32 @!p0 $0x1  }
0x1d: {  	[spmem:s2] =	stream.indirect.scatter.add.f32 @!p0 [tilespmem:s18], [sflag:$0x1], $0x80, s16, s18, $0xb8;
	[tilespmem:$0x18080] =	vst v63  }
0x1e: {  	s15 =	simm.s32 $0x40;
	p1 =	por p0, p0;
	_ =	swait.ge @!p0 [sflag:s17], $0x4000  }
0x1f: {  	s16 =	sadd.s32 $0x200, s9;
	p0 =	sgt.u32 s31, $0x9C3;
	[sflag:s17] =	ssyncset.done @!p1 $0x0  }
.LBB2_2:
0x20: {  	s18 =	simm.s32 @!p0 $0x0;
	s19 =	simm.s32 @!p0 $0x2  }
0x21: {  	[sflag:s17] =	ssyncadd.s32 @!p1 $0xFFFFC000;
	s20 =	smov.u32 s15;
	s15 =	sadd.s32 $0x20, s15  }
0x22: {  	[tilespmem:s18], [sflag:$0x2] =	stream.linear.gather @!p0 [hbm4b:s16+s18], $0x80, $0x38;
	[tilespmem:$0x18080] =	vst v63  }
0x23: {  	p2 =	sne.s32 s15, $0x9E0;
	_ =	swait.ge @!p0 [sflag:s19], $0x80  }
.Ltmp0:
0x24: {  	[sflag:s19] =	ssyncset.done @!p0 $0x0;
	(pc) =	sbr.rel @p2 .LBB2_2-.Ltmp0, $4  }
0x25: {  	s17 =	simm.s32 @!p0 $0x1;
	[sflag:s19] =	ssyncadd.s32 @!p0 $0xFFFFFF80;
	s19 =	simm.s32 @!p0 $0x80  }
0x26: {  	[spmem:s2] =	stream.indirect.scatter.add.f32 @!p0 [tilespmem:s19], [sflag:$0x1], $0x80, s18, s19, $0xb8;
	[tilespmem:$0x18080] =	vst v63  }
0x27: {  	p1 =	por p0, p0;
	s18 =	sadd.s32 s20, s10;
	_ =	swait.ge @!p0 [sflag:s17], $0x4000  }
0x28: {  	s16 =	sadd.s32 $0x200, s16;
	p0 =	sgt.u32 s18, $0x9C3;
	[sflag:s17] =	ssyncset.done @!p1 $0x0  }
0x29: {  	s15 =	simm.s32 @!p0 $0x0;
	s18 =	simm.s32 @!p0 $0x2;
	[sflag:s17] =	ssyncadd.s32 @!p1 $0xFFFFC000  }
0x2a: {  	[tilespmem:s15], [sflag:$0x2] =	stream.linear.gather @!p0 [hbm4b:s16+s15], $0x80, $0x38;
	[tilespmem:$0x18080] =	vst v63  }
0x2b: {  	_ =	swait.ge @!p0 [sflag:s18], $0x80  }
0x2c: {  	[sflag:s18] =	ssyncset.done @!p0 $0x0  }
0x2d: {  	s17 =	simm.s32 @!p0 $0x1;
	s16 =	simm.s32 @!p0 $0x80;
	[sflag:s18] =	ssyncadd.s32 @!p0 $0xFFFFFF80  }
0x2e: {  	[spmem:s2] =	stream.indirect.scatter.add.f32 @!p0 [tilespmem:s16], [sflag:$0x1], $0x80, s15, s16, $0xb8;
	[tilespmem:$0x18080] =	vst v63  }
0x2f: {  	_ =	swait.ge @!p0 [sflag:s17], $0x4000;
	p0 =	por p0, p0  }
0x30: {  	s14 =	sadd.s32 $0x1, s14;
	[sflag:s17] =	ssyncset.done @!p0 $0x0  }
0x31: {  	[sflag:s17] =	ssyncadd.s32 @!p0 $0xFFFFC000;
	p0 =	sne.s32 s14, s8  }
.Ltmp1:
0x32: {  	[bflag:$0x0] =	sbarrier.arrive $0xFFFF;
	(pc) =	sbr.rel @p0 .LBB2_1-.Ltmp1, $4  }
0x33: {  	[hbm:s7], [sflag:s6] =	dma.local [spmem:s11], $0x2800  }
0x34: {  	_ =	swait.ge [sflag:s12], $0x2800  }
0x35: {  	[sflag:s12] =	ssyncset.done $0x0  }
0x36: {  	[sflag:s12] =	ssyncadd.s32 $0xFFFFD800  }
0x37: {  	_ =	sfence.sel $0x180000  }
0x38: {  	[bflag:$0x0] =	sbarrier.arrive $0xFFFF  }
0x39: {  	p0 =	sne.s32 s1, $0x0;
	_ =	strace $0x9000004A  }
0x3a: {  	s0 =	sadd.s32 @!p0 $0x100000, s0;
	[bflag:$0x2] =	sbarrier.arrive $0xFFFF  }
0x3b: {  	[sflag:s0] =	ssyncadd.tile.s32 @!p0 $0x1;
	_ =	shalt  }
.Lfunc_end2:
_tile_overlayer_lowered:
.L_overlay_start_2:
0x3c: {  	(tag) =	ssettag $0x2  }
0x3d: {  	s0 =	rddreg [dreg:$0x0];
	s2 =	stileid.u32  }
0x3e: {  	s1 =	rddreg [dreg:$0x1];
	p0 =	sne.s32 s2, $0x0  }
0x3f: {  	s3 =	rddreg [dreg:$0x2];
	[bflag:$0x3] =	sbarrier.arrive $0xFFFF;
	s2 =	simm.s32 @!p0 $0x1C01  }
0x40: {  	[timem:s3], [sflag:s2] =	dma.local @!p0 [hbm:s0], s1  }
0x41: {  	s0 =	simm.s32 @!p0 $0x1  }
0x42: {  	_ =	swait.ge @!p0 [sflag:s0], s1  }
0x43: {  	s1 =	ssub.s32 @!p0 $0x0, s1;
	[sflag:s0] =	ssyncset.done @!p0 $0x0  }
0x44: {  	[sflag:s0] =	ssyncadd.s32 @!p0 s1  }
0x45: {  	[bflag:$0x3] =	sbarrier.arrive $0xFFFF  }
0x46: {  	_ =	shalt  }

// kernel: kernel.13.cloned.1.call-start
scs
__scs_entry_jumppad:
0x0: {  	(pc) =	sbr.rel $0x88, $3  }
0x1: {  	(tag) =	ssettag $0x0;
	lr =	simm.s32 $0x1  }
0x2: {  	[smem:$0x3F8F] =	sst lr;
	_ =	strace $0xD0000000  }
0x3: {  	_ = 	snop  }
0x4: {  	_ = 	snop  }
0x5: {  	_ = 	snop  }
0x6: {  	_ = 	snop  }
0x7: {  	_ = 	snop  }
__scs_overlays_trampoline_lowered:
0x8: {  	[smem:$0x3F9E] =	sst s0  }
0x9: {  	[smem:$0x3F9F] =	sst s1  }
0xa: {  	[smem:$0x3FA0] =	sst s2  }
0xb: {  	[smem:$0x3FA1] =	sst s3  }
0xc: {  	[smem:$0x3FA2] =	sst s4  }
0xd: {  	[smem:$0x3FA3] =	sst s5  }
0xe: {  	[smem:$0x3FA4] =	sst s6  }
0xf: {  	[smem:$0x3FA5] =	sst s7  }
0x10: {  	[smem:$0x3FA6] =	sst s8  }
0x11: {  	[smem:$0x3FA7] =	sst s9;
	s0 =	simm.s32 @!p0 $0x0  }
0x12: {  	s1 =	sld [smem:$0x3F8D];
	s0 =	simm.s32 @p0 $0x1  }
0x13: {  	[smem:$0x3FA8] =	sst s0;
	s0 =	simm.s32 @!p1 $0x0  }
0x14: {  	s2 =	sld [smem:$0x3F8C];
	s0 =	simm.s32 @p1 $0x1  }
0x15: {  	[smem:$0x3FA9] =	sst s0;
	s0 =	simm.s32 @!p2 $0x0  }
0x16: {  	s3 =	sld [smem:$0x3FDB];
	s0 =	simm.s32 @p2 $0x1  }
0x17: {  	s4 =	simm.s32 $0x1BF5;
	[smem:$0x3FAB] =	sst s0  }
0x18: {  	s0 =	sld [smem:$0x3F8E];
	_ =	swait.ge [sflag:s4], $0x0  }
0x19: {  	s7 =	sld [smem:$0x3F8F]  }
0x1a: {  	s8 =	sadd.s32 $0xFFFFE003, lr  }
0x1b: {  	s9 =	sadd.s32 $0xFFFFFEF7, lr;
	s5 =	simm.s32 $0xFFFFFFFF;
	p2 =	slt.u32 s8, $0xFFFFF086  }
0x1c: {  	p1 =	slt.u32 s9, $0xF7A;
	s5 =	simm.s32 @!p2 $0x0  }
0x1d: {  	s5 =	simm.s32 @p1 $0x1;
	p0 =	seq.s32 s7, s2  }
0x1e: {  	s7 =	smul.u32 @!p0 $0xF7A, s2;
	p2 =	seq.s32 @!p0 s5, $0x0  }
0x1f: {  	s9 =	smul.u32 $0xF7A, s1;
	s8 =	simm.s32 @!p0 $0x1BF5;
	p2 =	por !p2, p0  }
0x20: {  	[sflag:s8] =	ssyncset.s32 @!p0 $0xFFFFF086;
	s6 =	sadd.s32 @!p0 s3, s7;
	s7 =	simm.s32 @!p0 $0x108  }
0x21: {  	s3 =	sadd.s32 s3, s9;
	s6 =	sadd.s32 @!p0 $0x88, s6;
	s7 =	simm.s32 @p2 $0x1082  }
0x22: {  	[simem:s7], [sflag:s8] =	dma.local @!p0 [hbm:s6], $0xF7A  }
0x23: {  	s9 =	sor.u32 $0xD0000000, s2;
	s6 =	simm.s32 $0x108;
	_ =	swait.ge @!p0 [sflag:s8], $0x0  }
0x24: {  	s3 =	sadd.s32 $0x88, s3;
	s6 =	simm.s32 @!p1 $0x1082;
	[sflag:s4] =	ssyncset.s32 $0xFFFFF086  }
0x25: {  	[simem:s6], [sflag:s4] =	dma.local [hbm:s3], $0xF7A  }
0x26: {  	[smem:$0x3F8F] =	sst s1;
	(tag) =	ssettag s2;
	_ =	strace s9  }
0x27: {  	s1 =	sld [smem:$0x3F9F]  }
0x28: {  	s2 =	sld [smem:$0x3FA0]  }
0x29: {  	s4 =	sld [smem:$0x3FA2]  }
0x2a: {  	p0 =	seq.s32 s5, $0x0;
	s5 =	sld [smem:$0x3FA3]  }
0x2b: {  	s6 =	sld [smem:$0x3FA4]  }
0x2c: {  	s7 =	sld [smem:$0x3FA5]  }
0x2d: {  	s3 =	simm.s32 $0x108;
	s8 =	sld [smem:$0x3FA6]  }
0x2e: {  	s3 =	simm.s32 @!p0 $0x1082;
	s9 =	sld [smem:$0x3FA7]  }
0x2f: {  	lr =	sadd.s32 s0, s3;
	s0 =	sld [smem:$0x3F9E]  }
0x30: {  	s3 =	sld [smem:$0x3FA1]  }
0x31: {  	[smem:$0x3FAA] =	sst s10  }
0x32: {  	s10 =	sld [smem:$0x3FA8];
	_ =	sdelay $0x3  }
0x33: {  	p0 =	seq.s32 s10, $0x1;
	s10 =	sld [smem:$0x3FAA];
	_ =	sdelay $0x3  }
0x34: {  	[smem:$0x3FAA] =	sst s10  }
0x35: {  	s10 =	sld [smem:$0x3FA9];
	_ =	sdelay $0x3  }
0x36: {  	p1 =	seq.s32 s10, $0x1;
	s10 =	sld [smem:$0x3FAA];
	_ =	sdelay $0x3  }
0x37: {  	[smem:$0x3FAA] =	sst s10  }
0x38: {  	s10 =	sld [smem:$0x3FAB]  }
0x39: {  	_ = 	snop;
	(pc) =	sbr.ind lr, $3  }
0x3a: {  	_ = 	snop  }
0x3b: {  	_ = 	snop  }
0x3c: {  	p2 =	seq.s32 s10, $0x1;
	s10 =	sld [smem:$0x3FAA]  }
0x3d: {  	_ =	shalt  }
0x3e: {  	_ =	shalt  }
0x3f: {  	_ =	shalt  }
0x40: {  	_ =	shalt  }
0x41: {  	_ =	shalt  }
0x42: {  	_ =	shalt  }
0x43: {  	_ =	shalt  }
0x44: {  	_ =	shalt  }
0x45: {  	_ =	shalt  }
0x46: {  	_ =	shalt  }
0x47: {  	_ =	shalt  }
0x48: {  	_ =	shalt  }
0x49: {  	_ =	shalt  }
0x4a: {  	_ =	shalt  }
0x4b: {  	_ =	shalt  }
0x4c: {  	_ =	shalt  }
0x4d: {  	_ =	shalt  }
0x4e: {  	_ =	shalt  }
0x4f: {  	_ =	shalt  }
0x50: {  	_ =	shalt  }
0x51: {  	_ =	shalt  }
0x52: {  	_ =	shalt  }
0x53: {  	_ =	shalt  }
0x54: {  	_ =	shalt  }
0x55: {  	_ =	shalt  }
0x56: {  	_ =	shalt  }
0x57: {  	_ =	shalt  }
0x58: {  	_ =	shalt  }
0x59: {  	_ =	shalt  }
0x5a: {  	_ =	shalt  }
0x5b: {  	_ =	shalt  }
0x5c: {  	_ =	shalt  }
0x5d: {  	_ =	shalt  }
0x5e: {  	_ =	shalt  }
0x5f: {  	_ =	shalt  }
0x60: {  	_ =	shalt  }
0x61: {  	_ =	shalt  }
0x62: {  	_ =	shalt  }
0x63: {  	_ =	shalt  }
0x64: {  	_ =	shalt  }
0x65: {  	_ =	shalt  }
0x66: {  	_ =	shalt  }
0x67: {  	_ =	shalt  }
0x68: {  	_ =	shalt  }
0x69: {  	_ =	shalt  }
0x6a: {  	_ =	shalt  }
0x6b: {  	_ =	shalt  }
0x6c: {  	_ =	shalt  }
0x6d: {  	_ =	shalt  }
0x6e: {  	_ =	shalt  }
0x6f: {  	_ =	shalt  }
0x70: {  	_ =	shalt  }
0x71: {  	_ =	shalt  }
0x72: {  	_ =	shalt  }
0x73: {  	_ =	shalt  }
0x74: {  	_ =	shalt  }
0x75: {  	_ =	shalt  }
0x76: {  	_ =	shalt  }
0x77: {  	_ =	shalt  }
0x78: {  	_ =	shalt  }
0x79: {  	_ =	shalt  }
0x7a: {  	_ =	shalt  }
0x7b: {  	_ =	shalt  }
0x7c: {  	_ =	shalt  }
0x7d: {  	_ =	shalt  }
0x7e: {  	_ =	shalt  }
0x7f: {  	_ =	shalt  }
0x80: {  	_ =	shalt  }
0x81: {  	_ =	shalt  }
0x82: {  	_ =	shalt  }
0x83: {  	_ =	shalt  }
0x84: {  	_ =	shalt  }
0x85: {  	_ =	shalt  }
0x86: {  	_ =	shalt  }
0x87: {  	_ =	shalt  }
.Lfunc_end0:
.L_simem_size_0:
called_computation.1_lowered:
.L_overlay_start_0:
0x88: {  	s2 =	sld [smem:$0x3FD9]  }
0x89: {  	s3 =	sld [smem:$0x3FFE];
	_ =	sdelay $0x1  }
0x8a: {  	s1 =	srdreg.scid  }
0x8b: {  	s0 =	sand.u32 $0x1, s1  }
0x8c: {  	s17 =	sshll.u32 s0, $0xA;
	s2 =	sadd.s32 s3, s2  }
0x8d: {  	s2 =	sadd.s32 s2, s17  }
0x8e: {  	[smem:$0x3FB6] =	sst s2  }
0x8f: {  	_ = 	snop  }
0x90: {  	s2 =	sld [smem:$0x3FC9];
	(tm) =	ssettm $0x1  }
0x91: {  	s18 =	sld [smem:$0x3FFB];
	_ =	sdelay $0x3  }
0x92: {  	_ =	strace s18  }
0x93: {  	s3 =	sld [smem:$0x3FFC];
	_ =	sdelay $0x3  }
0x94: {  	_ =	strace s3  }
0x95: {  	s3 =	sld [smem:$0x3FFD];
	_ =	sdelay $0x3  }
0x96: {  	_ =	strace s3  }
0x97: {  	_ =	strace $0x8FFFFFFF  }
0x98: {  	s19 =	sld [smem:$0x3FDB];
	_ =	sdelay $0x1  }
0x99: {  	s4 =	simm.s32 $_scs_section_size  }
0x9a: {  	s5 =	simm.s32 $_size__tile_overlayer_lowered;
	s6 =	simm.s32 $_tile_overlayer_lowered  }
0x9b: {  	s22 =	simm.s32 $0x1BFF;
	s21 =	sshll.u32 s6, $0x1;
	s3 =	sadd.s32 s4, s19  }
0x9c: {  	s7 =	simm.s32 $0x0;
	s20 =	sshll.u32 s5, $0x1;
	s5 =	sadd.s32 s21, s3  }
0x9d: {  	[timem:s7], [sflag:s22] =	dma.local [hbm:s5], s20  }
0x9e: {  	_ =	swait.ge [sflag:s22], s20  }
0x9f: {  	s4 =	ssub.s32 $0x0, s20;
	[sflag:s22] =	ssyncset.done $0x0  }
0xa0: {  	[sflag:s22] =	ssyncadd.s32 s4;
	_ =	sdelay $0x1  }
0xa1: {  	s23 =	simm.s32 $0x1B8B  }
0xa2: {  	_ =	swait.ge [sflag:s23], $0x1  }
0xa3: {  	[sflag:s23] =	ssyncset.done $0x0  }
0xa4: {  	s25 =	simm.s32 $0x1B8E;
	s24 =	sld [smem:$0x3FFE];
	[sflag:s23] =	ssyncadd.s32 $0xFFFFFFFF  }
0xa5: {  	s26 =	simm.s32 $execute0_lowered;
	[smem:$0x3FD2] =	sst s25  }
0xa6: {  	s5 =	sshll.u32 s26, $0x1;
	_ =	strace $0x80000046;
	[dreg:$0x1] =	wrdreg $0xFFFFFFFF  }
0xa7: {  	s28 =	simm.s32 $_size_execute0_lowered;
	s3 =	sadd.s32 s3, s5;
	[dreg:$0x0] =	wrdreg $0x0  }
0xa8: {  	s5 =	sshll.u32 s28, $0x1;
	[dreg:$0x2] =	wrdreg s3  }
0xa9: {  	[dreg:$0x3] =	wrdreg s5  }
0xaa: {  	[dreg:$0x4] =	wrdreg $0xC0  }
0xab: {  	_ =	task [dreg:s7], $0x5FFFF  }
0xac: {  	[dreg:$0x1] =	wrdreg $0xFFFFFFFF  }
0xad: {  	[dreg:$0x0] =	wrdreg $0x60  }
0xae: {  	[dreg:$0x2] =	wrdreg s24  }
0xaf: {  	[dreg:$0x3] =	wrdreg s2  }
0xb0: {  	[dreg:$0x4] =	wrdreg $0x41000  }
0xb1: {  	[dreg:$0x5] =	wrdreg $0xA  }
0xb2: {  	_ =	task.clear_ibuf [dreg:s7], $0x6FFFF;
	_ =	strace $0x90000046  }
0xb3: {  	s29 =	simm.s32 $0xA;
	_ =	strace $0x80000048  }
0xb4: {  	_ =	swait.ge [sflag:s29], $0x1  }
0xb5: {  	[sflag:s29] =	ssyncadd.s32 $0xFFFFFFFF  }
0xb6: {  	_ =	strace $0x90000048  }
0xb7: {  	_ =	sfence  }
0xb8: {  	s30 =	sld [smem:$0x0];
	_ =	sdelay $0x2  }
0xb9: {  	s31 =	sshll.u32 s1, $0xD;
	s1 =	sshrl.u32 s1, $0x2  }
0xba: {  	s3 =	sand.u32 $0x4000, s31;
	s1 =	sadd.s32 s1, s30  }
0xbb: {  	s0 =	sor.u32 s3, s0;
	s1 =	sshll.u32 s1, $0x11  }
0xbc: {  	s0 =	sor.u32 s1, s0  }
0xbd: {  	s0 =	sadd.s32 $0x8F2B, s0  }
0xbe: {  	[sflag:s0] =	ssyncadd.remote.s32 $0x1  }
0xbf: {  	_ =	sfence.sel $0xFFFF  }
0xc0: {  	[dreg:$0x0] =	wrdreg $0xFFFFFFFF;
	(pc) =	sbr.abs _section_cstart, $3  }
0xc1: {  	[dreg:$0x1] =	wrdreg $0xFFFFFFFF  }
0xc2: {  	_ =	task.clear_ibuf [dreg:s7], $0x2FFFF;
	_ =	strace $0x9FFFFFFF  }
0xc3: {  	(tm) =	ssettm $0x7FFFFFFF  }
tec
execute0_lowered:
.L_overlay_start_1:
0x0: {  	(tag) =	ssettag $0x1  }
0x1: {  	s5 =	rddreg [dreg:$0x0]  }
0x2: {  	s2 =	rddreg [dreg:$0x1]  }
0x3: {  	s3 =	rddreg [dreg:$0x2]  }
0x4: {  	s0 =	rddreg [dreg:$0x3];
	s1 =	stileid.u32  }
0x5: {  	s6 =	srdreg.scid;
	s4 =	simm.s32 $0x0;
	s7 =	smul.u32 $0x14000, s1  }
0x6: {  	s8 =	sand.u32 $0x1, s6;
	[smem:$0x7FF] =	sst s4;
	s28 =	smul.u32 $0x50000, s1  }
0x7: {  	s9 =	sshll.u32 s1, $0x6;
	s6 =	smul.u32 $0x140000, s8;
	_ =	strace $0x80000047  }
0x8: {  	s10 =	sadd.s32 s9, s5;
	s12 =	ssub.s32 $0x2, s8;
	s31 =	sshll.u32 s8, $0x5  }
0x9: {  	s11 =	sshrl.u32 s7, $0x3;
	s29 =	sshrl.u32 s12, $0x1;
	s30 =	sshrl.u32 s28, $0x2  }
0xa: {  	s10 =	sadd.s32 s31, s10;
	s6 =	sadd.s32 s7, s6;
	s11 =	sadd.s32 s11, s5  }
0xb: {  	s12 =	ssub.s32 s12, s29;
	s14 =	sadd.s32 s30, s3;
	s7 =	sor.u32 $0x1C02, s9  }
0xc: {  	s10 =	sadd.s32 $0xDE00, s10;
	s6 =	sshrl.u32 s6, $0x3;
	s9 =	smax.u32 s12, $0x1  }
0xd: {  	s12 =	simm.s32 $0x2;
	s13 =	sadd.s32 s6, s5;
	s5 =	sshll.u32 s1, $0x1  }
0xe: {  	s6 =	sadd.s32 $0x21800, s11;
	s11 =	sshrl.u32 s14, $0x3;
	s8 =	sadd.s32 $0x49800, s13  }
.LBB2_1:
0xf: {  	[spmem:s11], [sflag:s7] =	dma.local [hbm:s6], $0x2800  }
0x10: {  	_ =	swait.ge [sflag:s12], $0x2800  }
0x11: {  	s13 =	sadd.s32 $0x0, s5;
	[sflag:s12] =	ssyncset.done $0x0  }
0x12: {  	p0 =	sgt.u32 s13, $0x9C3;
	[sflag:s12] =	ssyncadd.s32 $0xFFFFD800  }
0x13: {  	s13 =	simm.s32 @!p0 $0x0;
	s14 =	simm.s32 @!p0 $0x3;
	[bflag:$0x0] =	sbarrier.arrive $0xFFFF  }
0x14: {  	[tilespmem:s13], [sflag:$0x3] =	stream.linear.gather @!p0 [hbm4b:s10+s13], $0x100, $0x38;
	[tilespmem:$0x18100] =	vst v63  }
0x15: {  	_ =	swait.ge @!p0 [sflag:s14], $0x100  }
0x16: {  	s15 =	simm.s32 @!p0 $0x1;
	[sflag:s14] =	ssyncset.done @!p0 $0x0  }
0x17: {  	s16 =	simm.s32 @!p0 $0x100;
	[sflag:s14] =	ssyncadd.s32 @!p0 $0xFFFFFF00;
	s14 =	simm.s32 @!p0 $0x80  }
0x18: {  	[tilespmem:s16], [sflag:$0x1] =	stream.indirect.gather @!p0 [hbm4b:s2+s14], $0x80, s13, s14, $0xb8;
	[tilespmem:$0x18100] =	vst v63  }
0x19: {  	p1 =	por p0, p0;
	_ =	swait.ge @!p0 [sflag:s15], $0x4000  }
0x1a: {  	[sflag:s15] =	ssyncset.done @!p1 $0x0  }
0x1b: {  	[sflag:s15] =	ssyncadd.s32 @!p1 $0xFFFFC000;
	s15 =	simm.s32 @!p1 $0x2  }
0x1c: {  	[spmem:s3] =	stream.indirect.scatter.add.f32 @!p1 [tilespmem:s16], [sflag:$0x2], $0x80, s14, s14, $0xb8;
	[tilespmem:$0x18100] =	vst v63  }
0x1d: {  	s31 =	sadd.s32 $0x20, s5;
	s13 =	simm.s32 $0x40;
	_ =	swait.ge @!p1 [sflag:s15], $0x4000  }
0x1e: {  	p0 =	sgt.u32 s31, $0x9C3;
	s14 =	sadd.s32 $0x400, s10;
	[sflag:s15] =	ssyncset.done @!p1 $0x0  }
.LBB2_2:
0x1f: {  	s16 =	simm.s32 @!p0 $0x0;
	s17 =	simm.s32 @!p0 $0x3;
	[sflag:s15] =	ssyncadd.s32 @!p1 $0xFFFFC000  }
0x20: {  	[tilespmem:s16], [sflag:$0x3] =	stream.linear.gather @!p0 [hbm4b:s14+s16], $0x100, $0x38;
	[tilespmem:$0x18100] =	vst v63  }
0x21: {  	s18 =	smov.u32 s13;
	s13 =	sadd.s32 $0x20, s13;
	_ =	swait.ge @!p0 [sflag:s17], $0x100  }
0x22: {  	s15 =	simm.s32 @!p0 $0x1;
	p2 =	sne.s32 s13, $0x9E0;
	[sflag:s17] =	ssyncset.done @!p0 $0x0  }
0x23: {  	s19 =	simm.s32 @!p0 $0x100;
	[sflag:s17] =	ssyncadd.s32 @!p0 $0xFFFFFF00;
	s17 =	simm.s32 @!p0 $0x80  }
0x24: {  	[tilespmem:s19], [sflag:$0x1] =	stream.indirect.gather @!p0 [hbm4b:s2+s17], $0x80, s16, s17, $0xb8;
	[tilespmem:$0x18100] =	vst v63  }
0x25: {  	p1 =	por p0, p0;
	_ =	swait.ge @!p0 [sflag:s15], $0x4000  }
.Ltmp0:
0x26: {  	[sflag:s15] =	ssyncset.done @!p1 $0x0;
	(pc) =	sbr.rel @p2 .LBB2_2-.Ltmp0, $4  }
0x27: {  	[sflag:s15] =	ssyncadd.s32 @!p1 $0xFFFFC000;
	s15 =	simm.s32 @!p1 $0x2  }
0x28: {  	[spmem:s3] =	stream.indirect.scatter.add.f32 @!p1 [tilespmem:s19], [sflag:$0x2], $0x80, s17, s17, $0xb8;
	[tilespmem:$0x18100] =	vst v63  }
0x29: {  	s16 =	sadd.s32 s18, s5;
	_ =	swait.ge @!p1 [sflag:s15], $0x4000  }
0x2a: {  	s14 =	sadd.s32 $0x400, s14;
	p0 =	sgt.u32 s16, $0x9C3;
	[sflag:s15] =	ssyncset.done @!p1 $0x0  }
0x2b: {  	s13 =	simm.s32 @!p0 $0x0;
	s16 =	simm.s32 @!p0 $0x3;
	[sflag:s15] =	ssyncadd.s32 @!p1 $0xFFFFC000  }
0x2c: {  	[tilespmem:s13], [sflag:$0x3] =	stream.linear.gather @!p0 [hbm4b:s14+s13], $0x100, $0x38;
	[tilespmem:$0x18100] =	vst v63  }
0x2d: {  	_ =	swait.ge @!p0 [sflag:s16], $0x100  }
0x2e: {  	s15 =	simm.s32 @!p0 $0x80;
	[sflag:s16] =	ssyncset.done @!p0 $0x0  }
0x2f: {  	s14 =	simm.s32 @!p0 $0x1;
	[sflag:s16] =	ssyncadd.s32 @!p0 $0xFFFFFF00;
	s16 =	simm.s32 @!p0 $0x100  }
0x30: {  	[tilespmem:s16], [sflag:$0x1] =	stream.indirect.gather @!p0 [hbm4b:s2+s15], $0x80, s13, s15, $0xb8;
	[tilespmem:$0x18100] =	vst v63  }
0x31: {  	_ =	swait.ge @!p0 [sflag:s14], $0x4000;
	p0 =	por p0, p0  }
0x32: {  	[sflag:s14] =	ssyncset.done @!p0 $0x0  }
0x33: {  	s13 =	simm.s32 @!p0 $0x2;
	[sflag:s14] =	ssyncadd.s32 @!p0 $0xFFFFC000  }
0x34: {  	[spmem:s3] =	stream.indirect.scatter.add.f32 @!p0 [tilespmem:s16], [sflag:$0x2], $0x80, s15, s15, $0xb8;
	[tilespmem:$0x18100] =	vst v63  }
0x35: {  	_ =	swait.ge @!p0 [sflag:s13], $0x4000  }
0x36: {  	s4 =	sadd.s32 $0x1, s4;
	[sflag:s13] =	ssyncset.done @!p0 $0x0  }
0x37: {  	[sflag:s13] =	ssyncadd.s32 @!p0 $0xFFFFC000;
	p0 =	sne.s32 s4, s9  }
.Ltmp1:
0x38: {  	[bflag:$0x0] =	sbarrier.arrive $0xFFFF;
	(pc) =	sbr.rel @p0 .LBB2_1-.Ltmp1, $4  }
0x39: {  	[hbm:s8], [sflag:s7] =	dma.local [spmem:s11], $0x2800  }
0x3a: {  	_ =	swait.ge [sflag:s12], $0x2800  }
0x3b: {  	[sflag:s12] =	ssyncset.done $0x0  }
0x3c: {  	[sflag:s12] =	ssyncadd.s32 $0xFFFFD800  }
0x3d: {  	_ =	sfence.sel $0x180000  }
0x3e: {  	[bflag:$0x0] =	sbarrier.arrive $0xFFFF  }
0x3f: {  	p0 =	sne.s32 s1, $0x0;
	_ =	strace $0x90000047  }
0x40: {  	s0 =	sadd.s32 @!p0 $0x100000, s0;
	[bflag:$0x2] =	sbarrier.arrive $0xFFFF  }
0x41: {  	[sflag:s0] =	ssyncadd.tile.s32 @!p0 $0x1;
	_ =	shalt  }
.Lfunc_end2:
_tile_overlayer_lowered:
.L_overlay_start_2:
0x42: {  	(tag) =	ssettag $0x2  }
0x43: {  	s0 =	rddreg [dreg:$0x0];
	s2 =	stileid.u32  }
0x44: {  	s1 =	rddreg [dreg:$0x1];
	p0 =	sne.s32 s2, $0x0  }
0x45: {  	s3 =	rddreg [dreg:$0x2];
	[bflag:$0x3] =	sbarrier.arrive $0xFFFF;
	s2 =	simm.s32 @!p0 $0x1C02  }
0x46: {  	[timem:s3], [sflag:s2] =	dma.local @!p0 [hbm:s0], s1  }
0x47: {  	s0 =	simm.s32 @!p0 $0x2  }
0x48: {  	_ =	swait.ge @!p0 [sflag:s0], s1  }
0x49: {  	s1 =	ssub.s32 @!p0 $0x0, s1;
	[sflag:s0] =	ssyncset.done @!p0 $0x0  }
0x4a: {  	[sflag:s0] =	ssyncadd.s32 @!p0 s1  }
0x4b: {  	[bflag:$0x3] =	sbarrier.arrive $0xFFFF  }
0x4c: {  	_ =	shalt  }

// kernel: kernel.16.cloned.1.call-start
scs
__scs_entry_jumppad:
0x0: {  	(pc) =	sbr.rel $0x88, $3  }
0x1: {  	(tag) =	ssettag $0x0;
	lr =	simm.s32 $0x1  }
0x2: {  	[smem:$0x3F8F] =	sst lr;
	_ =	strace $0xD0000000  }
0x3: {  	_ = 	snop  }
0x4: {  	_ = 	snop  }
0x5: {  	_ = 	snop  }
0x6: {  	_ = 	snop  }
0x7: {  	_ = 	snop  }
__scs_overlays_trampoline_lowered:
0x8: {  	[smem:$0x3F9E] =	sst s0  }
0x9: {  	[smem:$0x3F9F] =	sst s1  }
0xa: {  	[smem:$0x3FA0] =	sst s2  }
0xb: {  	[smem:$0x3FA1] =	sst s3  }
0xc: {  	[smem:$0x3FA2] =	sst s4  }
0xd: {  	[smem:$0x3FA3] =	sst s5  }
0xe: {  	[smem:$0x3FA4] =	sst s6  }
0xf: {  	[smem:$0x3FA5] =	sst s7  }
0x10: {  	[smem:$0x3FA6] =	sst s8  }
0x11: {  	[smem:$0x3FA7] =	sst s9;
	s0 =	simm.s32 @!p0 $0x0  }
0x12: {  	s1 =	sld [smem:$0x3F8D];
	s0 =	simm.s32 @p0 $0x1  }
0x13: {  	[smem:$0x3FA8] =	sst s0;
	s0 =	simm.s32 @!p1 $0x0  }
0x14: {  	s2 =	sld [smem:$0x3F8C];
	s0 =	simm.s32 @p1 $0x1  }
0x15: {  	[smem:$0x3FA9] =	sst s0;
	s0 =	simm.s32 @!p2 $0x0  }
0x16: {  	s3 =	sld [smem:$0x3FDB];
	s0 =	simm.s32 @p2 $0x1  }
0x17: {  	s4 =	simm.s32 $0x1BF5;
	[smem:$0x3FAB] =	sst s0  }
0x18: {  	s0 =	sld [smem:$0x3F8E];
	_ =	swait.ge [sflag:s4], $0x0  }
0x19: {  	s7 =	sld [smem:$0x3F8F]  }
0x1a: {  	s8 =	sadd.s32 $0xFFFFE003, lr  }
0x1b: {  	s9 =	sadd.s32 $0xFFFFFEF7, lr;
	s5 =	simm.s32 $0xFFFFFFFF;
	p2 =	slt.u32 s8, $0xFFFFF086  }
0x1c: {  	p1 =	slt.u32 s9, $0xF7A;
	s5 =	simm.s32 @!p2 $0x0  }
0x1d: {  	s5 =	simm.s32 @p1 $0x1;
	p0 =	seq.s32 s7, s2  }
0x1e: {  	s7 =	smul.u32 @!p0 $0xF7A, s2;
	p2 =	seq.s32 @!p0 s5, $0x0  }
0x1f: {  	s9 =	smul.u32 $0xF7A, s1;
	s8 =	simm.s32 @!p0 $0x1BF5;
	p2 =	por !p2, p0  }
0x20: {  	[sflag:s8] =	ssyncset.s32 @!p0 $0xFFFFF086;
	s6 =	sadd.s32 @!p0 s3, s7;
	s7 =	simm.s32 @!p0 $0x108  }
0x21: {  	s3 =	sadd.s32 s3, s9;
	s6 =	sadd.s32 @!p0 $0x88, s6;
	s7 =	simm.s32 @p2 $0x1082  }
0x22: {  	[simem:s7], [sflag:s8] =	dma.local @!p0 [hbm:s6], $0xF7A  }
0x23: {  	s9 =	sor.u32 $0xD0000000, s2;
	s6 =	simm.s32 $0x108;
	_ =	swait.ge @!p0 [sflag:s8], $0x0  }
0x24: {  	s3 =	sadd.s32 $0x88, s3;
	s6 =	simm.s32 @!p1 $0x1082;
	[sflag:s4] =	ssyncset.s32 $0xFFFFF086  }
0x25: {  	[simem:s6], [sflag:s4] =	dma.local [hbm:s3], $0xF7A  }
0x26: {  	[smem:$0x3F8F] =	sst s1;
	(tag) =	ssettag s2;
	_ =	strace s9  }
0x27: {  	s1 =	sld [smem:$0x3F9F]  }
0x28: {  	s2 =	sld [smem:$0x3FA0]  }
0x29: {  	s4 =	sld [smem:$0x3FA2]  }
0x2a: {  	p0 =	seq.s32 s5, $0x0;
	s5 =	sld [smem:$0x3FA3]  }
0x2b: {  	s6 =	sld [smem:$0x3FA4]  }
0x2c: {  	s7 =	sld [smem:$0x3FA5]  }
0x2d: {  	s3 =	simm.s32 $0x108;
	s8 =	sld [smem:$0x3FA6]  }
0x2e: {  	s3 =	simm.s32 @!p0 $0x1082;
	s9 =	sld [smem:$0x3FA7]  }
0x2f: {  	lr =	sadd.s32 s0, s3;
	s0 =	sld [smem:$0x3F9E]  }
0x30: {  	s3 =	sld [smem:$0x3FA1]  }
0x31: {  	[smem:$0x3FAA] =	sst s10  }
0x32: {  	s10 =	sld [smem:$0x3FA8];
	_ =	sdelay $0x3  }
0x33: {  	p0 =	seq.s32 s10, $0x1;
	s10 =	sld [smem:$0x3FAA];
	_ =	sdelay $0x3  }
0x34: {  	[smem:$0x3FAA] =	sst s10  }
0x35: {  	s10 =	sld [smem:$0x3FA9];
	_ =	sdelay $0x3  }
0x36: {  	p1 =	seq.s32 s10, $0x1;
	s10 =	sld [smem:$0x3FAA];
	_ =	sdelay $0x3  }
0x37: {  	[smem:$0x3FAA] =	sst s10  }
0x38: {  	s10 =	sld [smem:$0x3FAB]  }
0x39: {  	_ = 	snop;
	(pc) =	sbr.ind lr, $3  }
0x3a: {  	_ = 	snop  }
0x3b: {  	_ = 	snop  }
0x3c: {  	p2 =	seq.s32 s10, $0x1;
	s10 =	sld [smem:$0x3FAA]  }
0x3d: {  	_ =	shalt  }
0x3e: {  	_ =	shalt  }
0x3f: {  	_ =	shalt  }
0x40: {  	_ =	shalt  }
0x41: {  	_ =	shalt  }
0x42: {  	_ =	shalt  }
0x43: {  	_ =	shalt  }
0x44: {  	_ =	shalt  }
0x45: {  	_ =	shalt  }
0x46: {  	_ =	shalt  }
0x47: {  	_ =	shalt  }
0x48: {  	_ =	shalt  }
0x49: {  	_ =	shalt  }
0x4a: {  	_ =	shalt  }
0x4b: {  	_ =	shalt  }
0x4c: {  	_ =	shalt  }
0x4d: {  	_ =	shalt  }
0x4e: {  	_ =	shalt  }
0x4f: {  	_ =	shalt  }
0x50: {  	_ =	shalt  }
0x51: {  	_ =	shalt  }
0x52: {  	_ =	shalt  }
0x53: {  	_ =	shalt  }
0x54: {  	_ =	shalt  }
0x55: {  	_ =	shalt  }
0x56: {  	_ =	shalt  }
0x57: {  	_ =	shalt  }
0x58: {  	_ =	shalt  }
0x59: {  	_ =	shalt  }
0x5a: {  	_ =	shalt  }
0x5b: {  	_ =	shalt  }
0x5c: {  	_ =	shalt  }
0x5d: {  	_ =	shalt  }
0x5e: {  	_ =	shalt  }
0x5f: {  	_ =	shalt  }
0x60: {  	_ =	shalt  }
0x61: {  	_ =	shalt  }
0x62: {  	_ =	shalt  }
0x63: {  	_ =	shalt  }
0x64: {  	_ =	shalt  }
0x65: {  	_ =	shalt  }
0x66: {  	_ =	shalt  }
0x67: {  	_ =	shalt  }
0x68: {  	_ =	shalt  }
0x69: {  	_ =	shalt  }
0x6a: {  	_ =	shalt  }
0x6b: {  	_ =	shalt  }
0x6c: {  	_ =	shalt  }
0x6d: {  	_ =	shalt  }
0x6e: {  	_ =	shalt  }
0x6f: {  	_ =	shalt  }
0x70: {  	_ =	shalt  }
0x71: {  	_ =	shalt  }
0x72: {  	_ =	shalt  }
0x73: {  	_ =	shalt  }
0x74: {  	_ =	shalt  }
0x75: {  	_ =	shalt  }
0x76: {  	_ =	shalt  }
0x77: {  	_ =	shalt  }
0x78: {  	_ =	shalt  }
0x79: {  	_ =	shalt  }
0x7a: {  	_ =	shalt  }
0x7b: {  	_ =	shalt  }
0x7c: {  	_ =	shalt  }
0x7d: {  	_ =	shalt  }
0x7e: {  	_ =	shalt  }
0x7f: {  	_ =	shalt  }
0x80: {  	_ =	shalt  }
0x81: {  	_ =	shalt  }
0x82: {  	_ =	shalt  }
0x83: {  	_ =	shalt  }
0x84: {  	_ =	shalt  }
0x85: {  	_ =	shalt  }
0x86: {  	_ =	shalt  }
0x87: {  	_ =	shalt  }
.Lfunc_end0:
.L_simem_size_0:
called_computation.2_lowered:
.L_overlay_start_0:
0x88: {  	s2 =	sld [smem:$0x3FD9]  }
0x89: {  	s3 =	sld [smem:$0x3FFE];
	_ =	sdelay $0x1  }
0x8a: {  	s1 =	srdreg.scid  }
0x8b: {  	s0 =	sand.u32 $0x1, s1  }
0x8c: {  	s16 =	sshll.u32 s0, $0xA;
	s2 =	sadd.s32 s3, s2  }
0x8d: {  	s2 =	sadd.s32 s2, s16  }
0x8e: {  	[smem:$0x3FB6] =	sst s2  }
0x8f: {  	_ = 	snop  }
0x90: {  	(tm) =	ssettm $0x1  }
0x91: {  	s17 =	sld [smem:$0x3FFB];
	_ =	sdelay $0x3  }
0x92: {  	_ =	strace s17  }
0x93: {  	s2 =	sld [smem:$0x3FFC];
	_ =	sdelay $0x3  }
0x94: {  	_ =	strace s2  }
0x95: {  	s2 =	sld [smem:$0x3FFD];
	_ =	sdelay $0x3  }
0x96: {  	_ =	strace s2  }
0x97: {  	_ =	strace $0x8FFFFFFF  }
0x98: {  	s18 =	sld [smem:$0x3FDB];
	_ =	sdelay $0x1  }
0x99: {  	s19 =	simm.s32 $_scs_section_size  }
0x9a: {  	s4 =	simm.s32 $_size__tile_overlayer_lowered;
	s5 =	simm.s32 $_tile_overlayer_lowered  }
0x9b: {  	s22 =	simm.s32 $0x1BFF;
	s21 =	sshll.u32 s5, $0x1;
	s2 =	sadd.s32 s19, s18  }
0x9c: {  	s6 =	simm.s32 $0x0;
	s20 =	sshll.u32 s4, $0x1;
	s4 =	sadd.s32 s21, s2  }
0x9d: {  	[timem:s6], [sflag:s22] =	dma.local [hbm:s4], s20  }
0x9e: {  	_ =	swait.ge [sflag:s22], s20  }
0x9f: {  	s3 =	ssub.s32 $0x0, s20;
	[sflag:s22] =	ssyncset.done $0x0  }
0xa0: {  	[sflag:s22] =	ssyncadd.s32 s3;
	_ =	sdelay $0x1  }
0xa1: {  	s23 =	simm.s32 $0x1B8B  }
0xa2: {  	_ =	swait.ge [sflag:s23], $0x1  }
0xa3: {  	[sflag:s23] =	ssyncset.done $0x0  }
0xa4: {  	s25 =	simm.s32 $0x1B8E;
	s24 =	sld [smem:$0x3FFE];
	[sflag:s23] =	ssyncadd.s32 $0xFFFFFFFF  }
0xa5: {  	s26 =	simm.s32 $execute0_lowered;
	[smem:$0x3FD2] =	sst s25  }
0xa6: {  	s4 =	sshll.u32 s26, $0x1;
	_ =	strace $0x8000004C;
	[dreg:$0x1] =	wrdreg $0xFFFFFFFF  }
0xa7: {  	s28 =	simm.s32 $_size_execute0_lowered;
	s2 =	sadd.s32 s2, s4;
	[dreg:$0x0] =	wrdreg $0x0  }
0xa8: {  	s4 =	sshll.u32 s28, $0x1;
	[dreg:$0x2] =	wrdreg s2  }
0xa9: {  	[dreg:$0x3] =	wrdreg s4  }
0xaa: {  	[dreg:$0x4] =	wrdreg $0xC0  }
0xab: {  	_ =	task [dreg:s6], $0x5FFFF  }
0xac: {  	[dreg:$0x1] =	wrdreg $0xFFFFFFFF  }
0xad: {  	[dreg:$0x0] =	wrdreg $0x60  }
0xae: {  	[dreg:$0x2] =	wrdreg s24  }
0xaf: {  	[dreg:$0x3] =	wrdreg $0x41000  }
0xb0: {  	[dreg:$0x4] =	wrdreg $0x9  }
0xb1: {  	_ =	task.clear_ibuf [dreg:s6], $0x5FFFF;
	_ =	strace $0x9000004C  }
0xb2: {  	s29 =	simm.s32 $0x9;
	_ =	strace $0x8000004E  }
0xb3: {  	_ =	swait.ge [sflag:s29], $0x1  }
0xb4: {  	[sflag:s29] =	ssyncadd.s32 $0xFFFFFFFF  }
0xb5: {  	_ =	strace $0x9000004E  }
0xb6: {  	_ =	sfence  }
0xb7: {  	s30 =	sld [smem:$0x0];
	_ =	sdelay $0x2  }
0xb8: {  	s31 =	sshll.u32 s1, $0xD;
	s1 =	sshrl.u32 s1, $0x2  }
0xb9: {  	s3 =	sand.u32 $0x4000, s31;
	s1 =	sadd.s32 s1, s30  }
0xba: {  	s0 =	sor.u32 s3, s0;
	s1 =	sshll.u32 s1, $0x11  }
0xbb: {  	s0 =	sor.u32 s1, s0  }
0xbc: {  	s0 =	sadd.s32 $0x8F2B, s0  }
0xbd: {  	[sflag:s0] =	ssyncadd.remote.s32 $0x1  }
0xbe: {  	_ =	sfence.sel $0xFFFF  }
0xbf: {  	[dreg:$0x0] =	wrdreg $0xFFFFFFFF;
	(pc) =	sbr.abs _section_cstart, $3  }
0xc0: {  	[dreg:$0x1] =	wrdreg $0xFFFFFFFF  }
0xc1: {  	_ =	task.clear_ibuf [dreg:s6], $0x2FFFF;
	_ =	strace $0x9FFFFFFF  }
0xc2: {  	(tm) =	ssettm $0x7FFFFFFF  }
0xc3: {  	_ =	shalt  }
tec
execute0_lowered:
.L_overlay_start_1:
0x0: {  	(tag) =	ssettag $0x1  }
0x1: {  	s5 =	rddreg [dreg:$0x0]  }
0x2: {  	s2 =	rddreg [dreg:$0x1]  }
0x3: {  	s0 =	rddreg [dreg:$0x2]  }
0x4: {  	s1 =	stileid.u32;
	s4 =	srdreg.scid  }
0x5: {  	s3 =	simm.s32 $0x0;
	s6 =	smul.u32 $0x14000, s1;
	s8 =	sand.u32 $0x1, s4  }
0x6: {  	[smem:$0x7FF] =	sst s3;
	s7 =	sshll.u32 s1, $0x6;
	s25 =	smul.u32 $0x50000, s1  }
0x7: {  	s4 =	sadd.s32 $0x49800, s5;
	s9 =	smul.u32 $0x140000, s8;
	_ =	strace $0x8000004D  }
0x8: {  	s10 =	sadd.s32 s7, s5;
	s12 =	ssub.s32 $0x2, s8;
	s7 =	sor.u32 $0x1C02, s7  }
0x9: {  	s31 =	sshll.u32 s8, $0x5;
	s11 =	sshrl.u32 s6, $0x3;
	s26 =	sshrl.u32 s12, $0x1  }
0xa: {  	s28 =	sshrl.u32 s25, $0x2;
	s10 =	sadd.s32 s31, s10;
	s6 =	sadd.s32 s6, s9  }
0xb: {  	s11 =	sadd.s32 s11, s5;
	s29 =	ssub.s32 s12, s26;
	s30 =	sadd.s32 s28, s2  }
0xc: {  	s10 =	sadd.s32 $0xDE00, s10;
	s12 =	simm.s32 $0x2;
	s6 =	sshrl.u32 s6, $0x3  }
0xd: {  	s9 =	smax.u32 s29, $0x1;
	s13 =	sadd.s32 s6, s5;
	s5 =	sshll.u32 s1, $0x1  }
0xe: {  	s6 =	sadd.s32 $0x21800, s11;
	s11 =	sshrl.u32 s30, $0x3;
	s8 =	sadd.s32 $0xEA000, s13  }
.LBB2_1:
0xf: {  	[spmem:s11], [sflag:s7] =	dma.local [hbm:s6], $0x2800  }
0x10: {  	_ =	swait.ge [sflag:s12], $0x2800  }
0x11: {  	s13 =	sadd.s32 $0x0, s5;
	[sflag:s12] =	ssyncset.done $0x0  }
0x12: {  	p0 =	sgt.u32 s13, $0x9C3;
	[sflag:s12] =	ssyncadd.s32 $0xFFFFD800  }
0x13: {  	s13 =	simm.s32 @!p0 $0x0;
	s14 =	simm.s32 @!p0 $0x3;
	[bflag:$0x0] =	sbarrier.arrive $0xFFFF  }
0x14: {  	[tilespmem:s13], [sflag:$0x3] =	stream.linear.gather @!p0 [hbm4b:s10+s13], $0x100, $0x38;
	[tilespmem:$0x18100] =	vst v63  }
0x15: {  	_ =	swait.ge @!p0 [sflag:s14], $0x100  }
0x16: {  	s15 =	simm.s32 @!p0 $0x1;
	[sflag:s14] =	ssyncset.done @!p0 $0x0  }
0x17: {  	s16 =	simm.s32 @!p0 $0x100;
	[sflag:s14] =	ssyncadd.s32 @!p0 $0xFFFFFF00;
	s14 =	simm.s32 @!p0 $0x80  }
0x18: {  	[tilespmem:s16], [sflag:$0x1] =	stream.indirect.gather @!p0 [hbm4b:s4+s14], $0x80, s13, s14, $0xb8;
	[tilespmem:$0x18100] =	vst v63  }
0x19: {  	p1 =	por p0, p0;
	_ =	swait.ge @!p0 [sflag:s15], $0x4000  }
0x1a: {  	[sflag:s15] =	ssyncset.done @!p1 $0x0  }
0x1b: {  	[sflag:s15] =	ssyncadd.s32 @!p1 $0xFFFFC000;
	s15 =	simm.s32 @!p1 $0x2  }
0x1c: {  	[spmem:s2] =	stream.indirect.scatter.add.f32 @!p1 [tilespmem:s16], [sflag:$0x2], $0x80, s14, s14, $0xb8;
	[tilespmem:$0x18100] =	vst v63  }
0x1d: {  	s31 =	sadd.s32 $0x20, s5;
	s13 =	simm.s32 $0x40;
	_ =	swait.ge @!p1 [sflag:s15], $0x4000  }
0x1e: {  	p0 =	sgt.u32 s31, $0x9C3;
	s14 =	sadd.s32 $0x400, s10;
	[sflag:s15] =	ssyncset.done @!p1 $0x0  }
.LBB2_2:
0x1f: {  	s16 =	simm.s32 @!p0 $0x0;
	s17 =	simm.s32 @!p0 $0x3;
	[sflag:s15] =	ssyncadd.s32 @!p1 $0xFFFFC000  }
0x20: {  	[tilespmem:s16], [sflag:$0x3] =	stream.linear.gather @!p0 [hbm4b:s14+s16], $0x100, $0x38;
	[tilespmem:$0x18100] =	vst v63  }
0x21: {  	s18 =	smov.u32 s13;
	s13 =	sadd.s32 $0x20, s13;
	_ =	swait.ge @!p0 [sflag:s17], $0x100  }
0x22: {  	s15 =	simm.s32 @!p0 $0x1;
	p2 =	sne.s32 s13, $0x9E0;
	[sflag:s17] =	ssyncset.done @!p0 $0x0  }
0x23: {  	s19 =	simm.s32 @!p0 $0x100;
	[sflag:s17] =	ssyncadd.s32 @!p0 $0xFFFFFF00;
	s17 =	simm.s32 @!p0 $0x80  }
0x24: {  	[tilespmem:s19], [sflag:$0x1] =	stream.indirect.gather @!p0 [hbm4b:s4+s17], $0x80, s16, s17, $0xb8;
	[tilespmem:$0x18100] =	vst v63  }
0x25: {  	p1 =	por p0, p0;
	_ =	swait.ge @!p0 [sflag:s15], $0x4000  }
.Ltmp0:
0x26: {  	[sflag:s15] =	ssyncset.done @!p1 $0x0;
	(pc) =	sbr.rel @p2 .LBB2_2-.Ltmp0, $4  }
0x27: {  	[sflag:s15] =	ssyncadd.s32 @!p1 $0xFFFFC000;
	s15 =	simm.s32 @!p1 $0x2  }
0x28: {  	[spmem:s2] =	stream.indirect.scatter.add.f32 @!p1 [tilespmem:s19], [sflag:$0x2], $0x80, s17, s17, $0xb8;
	[tilespmem:$0x18100] =	vst v63  }
0x29: {  	s16 =	sadd.s32 s18, s5;
	_ =	swait.ge @!p1 [sflag:s15], $0x4000  }
0x2a: {  	s14 =	sadd.s32 $0x400, s14;
	p0 =	sgt.u32 s16, $0x9C3;
	[sflag:s15] =	ssyncset.done @!p1 $0x0  }
0x2b: {  	s13 =	simm.s32 @!p0 $0x0;
	s16 =	simm.s32 @!p0 $0x3;
	[sflag:s15] =	ssyncadd.s32 @!p1 $0xFFFFC000  }
0x2c: {  	[tilespmem:s13], [sflag:$0x3] =	stream.linear.gather @!p0 [hbm4b:s14+s13], $0x100, $0x38;
	[tilespmem:$0x18100] =	vst v63  }
0x2d: {  	_ =	swait.ge @!p0 [sflag:s16], $0x100  }
0x2e: {  	s15 =	simm.s32 @!p0 $0x80;
	[sflag:s16] =	ssyncset.done @!p0 $0x0  }
0x2f: {  	s14 =	simm.s32 @!p0 $0x1;
	[sflag:s16] =	ssyncadd.s32 @!p0 $0xFFFFFF00;
	s16 =	simm.s32 @!p0 $0x100  }
0x30: {  	[tilespmem:s16], [sflag:$0x1] =	stream.indirect.gather @!p0 [hbm4b:s4+s15], $0x80, s13, s15, $0xb8;
	[tilespmem:$0x18100] =	vst v63  }
0x31: {  	_ =	swait.ge @!p0 [sflag:s14], $0x4000;
	p0 =	por p0, p0  }
0x32: {  	[sflag:s14] =	ssyncset.done @!p0 $0x0  }
0x33: {  	s13 =	simm.s32 @!p0 $0x2;
	[sflag:s14] =	ssyncadd.s32 @!p0 $0xFFFFC000  }
0x34: {  	[spmem:s2] =	stream.indirect.scatter.add.f32 @!p0 [tilespmem:s16], [sflag:$0x2], $0x80, s15, s15, $0xb8;
	[tilespmem:$0x18100] =	vst v63  }
0x35: {  	_ =	swait.ge @!p0 [sflag:s13], $0x4000  }
0x36: {  	s3 =	sadd.s32 $0x1, s3;
	[sflag:s13] =	ssyncset.done @!p0 $0x0  }
0x37: {  	[sflag:s13] =	ssyncadd.s32 @!p0 $0xFFFFC000;
	p0 =	sne.s32 s3, s9  }
.Ltmp1:
0x38: {  	[bflag:$0x0] =	sbarrier.arrive $0xFFFF;
	(pc) =	sbr.rel @p0 .LBB2_1-.Ltmp1, $4  }
0x39: {  	[hbm:s8], [sflag:s7] =	dma.local [spmem:s11], $0x2800  }
0x3a: {  	_ =	swait.ge [sflag:s12], $0x2800  }
0x3b: {  	[sflag:s12] =	ssyncset.done $0x0  }
0x3c: {  	[sflag:s12] =	ssyncadd.s32 $0xFFFFD800  }
0x3d: {  	_ =	sfence.sel $0x180000  }
0x3e: {  	[bflag:$0x0] =	sbarrier.arrive $0xFFFF  }
0x3f: {  	p0 =	sne.s32 s1, $0x0;
	_ =	strace $0x9000004D  }
0x40: {  	s0 =	sadd.s32 @!p0 $0x100000, s0;
	[bflag:$0x2] =	sbarrier.arrive $0xFFFF  }
0x41: {  	[sflag:s0] =	ssyncadd.tile.s32 @!p0 $0x1;
	_ =	shalt  }
.Lfunc_end2:
_tile_overlayer_lowered:
.L_overlay_start_2:
0x42: {  	(tag) =	ssettag $0x2  }
0x43: {  	s0 =	rddreg [dreg:$0x0];
	s2 =	stileid.u32  }
0x44: {  	s1 =	rddreg [dreg:$0x1];
	p0 =	sne.s32 s2, $0x0  }
0x45: {  	s3 =	rddreg [dreg:$0x2];
	[bflag:$0x3] =	sbarrier.arrive $0xFFFF;
	s2 =	simm.s32 @!p0 $0x1C02  }
0x46: {  	[timem:s3], [sflag:s2] =	dma.local @!p0 [hbm:s0], s1  }
0x47: {  	s0 =	simm.s32 @!p0 $0x2  }
0x48: {  	_ =	swait.ge @!p0 [sflag:s0], s1  }
0x49: {  	s1 =	ssub.s32 @!p0 $0x0, s1;
	[sflag:s0] =	ssyncset.done @!p0 $0x0  }
0x4a: {  	[sflag:s0] =	ssyncadd.s32 @!p0 s1  }
0x4b: {  	[bflag:$0x3] =	sbarrier.arrive $0xFFFF  }
0x4c: {  	_ =	shalt  }

// kernel: kernel.19.cloned.1.call-start
scs
__scs_entry_jumppad:
0x0: {  	(pc) =	sbr.rel $0x88, $3  }
0x1: {  	(tag) =	ssettag $0x0;
	lr =	simm.s32 $0x1  }
0x2: {  	[smem:$0x3F8F] =	sst lr;
	_ =	strace $0xD0000000  }
0x3: {  	_ = 	snop  }
0x4: {  	_ = 	snop  }
0x5: {  	_ = 	snop  }
0x6: {  	_ = 	snop  }
0x7: {  	_ = 	snop  }
__scs_overlays_trampoline_lowered:
0x8: {  	[smem:$0x3F9E] =	sst s0  }
0x9: {  	[smem:$0x3F9F] =	sst s1  }
0xa: {  	[smem:$0x3FA0] =	sst s2  }
0xb: {  	[smem:$0x3FA1] =	sst s3  }
0xc: {  	[smem:$0x3FA2] =	sst s4  }
0xd: {  	[smem:$0x3FA3] =	sst s5  }
0xe: {  	[smem:$0x3FA4] =	sst s6  }
0xf: {  	[smem:$0x3FA5] =	sst s7  }
0x10: {  	[smem:$0x3FA6] =	sst s8  }
0x11: {  	[smem:$0x3FA7] =	sst s9;
	s0 =	simm.s32 @!p0 $0x0  }
0x12: {  	s1 =	sld [smem:$0x3F8D];
	s0 =	simm.s32 @p0 $0x1  }
0x13: {  	[smem:$0x3FA8] =	sst s0;
	s0 =	simm.s32 @!p1 $0x0  }
0x14: {  	s2 =	sld [smem:$0x3F8C];
	s0 =	simm.s32 @p1 $0x1  }
0x15: {  	[smem:$0x3FA9] =	sst s0;
	s0 =	simm.s32 @!p2 $0x0  }
0x16: {  	s3 =	sld [smem:$0x3FDB];
	s0 =	simm.s32 @p2 $0x1  }
0x17: {  	s4 =	simm.s32 $0x1BF5;
	[smem:$0x3FAB] =	sst s0  }
0x18: {  	s0 =	sld [smem:$0x3F8E];
	_ =	swait.ge [sflag:s4], $0x0  }
0x19: {  	s7 =	sld [smem:$0x3F8F]  }
0x1a: {  	s8 =	sadd.s32 $0xFFFFE003, lr  }
0x1b: {  	s9 =	sadd.s32 $0xFFFFFEF7, lr;
	s5 =	simm.s32 $0xFFFFFFFF;
	p2 =	slt.u32 s8, $0xFFFFF086  }
0x1c: {  	p1 =	slt.u32 s9, $0xF7A;
	s5 =	simm.s32 @!p2 $0x0  }
0x1d: {  	s5 =	simm.s32 @p1 $0x1;
	p0 =	seq.s32 s7, s2  }
0x1e: {  	s7 =	smul.u32 @!p0 $0xF7A, s2;
	p2 =	seq.s32 @!p0 s5, $0x0  }
0x1f: {  	s9 =	smul.u32 $0xF7A, s1;
	s8 =	simm.s32 @!p0 $0x1BF5;
	p2 =	por !p2, p0  }
0x20: {  	[sflag:s8] =	ssyncset.s32 @!p0 $0xFFFFF086;
	s6 =	sadd.s32 @!p0 s3, s7;
	s7 =	simm.s32 @!p0 $0x108  }
0x21: {  	s3 =	sadd.s32 s3, s9;
	s6 =	sadd.s32 @!p0 $0x88, s6;
	s7 =	simm.s32 @p2 $0x1082  }
0x22: {  	[simem:s7], [sflag:s8] =	dma.local @!p0 [hbm:s6], $0xF7A  }
0x23: {  	s9 =	sor.u32 $0xD0000000, s2;
	s6 =	simm.s32 $0x108;
	_ =	swait.ge @!p0 [sflag:s8], $0x0  }
0x24: {  	s3 =	sadd.s32 $0x88, s3;
	s6 =	simm.s32 @!p1 $0x1082;
	[sflag:s4] =	ssyncset.s32 $0xFFFFF086  }
0x25: {  	[simem:s6], [sflag:s4] =	dma.local [hbm:s3], $0xF7A  }
0x26: {  	[smem:$0x3F8F] =	sst s1;
	(tag) =	ssettag s2;
	_ =	strace s9  }
0x27: {  	s1 =	sld [smem:$0x3F9F]  }
0x28: {  	s2 =	sld [smem:$0x3FA0]  }
0x29: {  	s4 =	sld [smem:$0x3FA2]  }
0x2a: {  	p0 =	seq.s32 s5, $0x0;
	s5 =	sld [smem:$0x3FA3]  }
0x2b: {  	s6 =	sld [smem:$0x3FA4]  }
0x2c: {  	s7 =	sld [smem:$0x3FA5]  }
0x2d: {  	s3 =	simm.s32 $0x108;
	s8 =	sld [smem:$0x3FA6]  }
0x2e: {  	s3 =	simm.s32 @!p0 $0x1082;
	s9 =	sld [smem:$0x3FA7]  }
0x2f: {  	lr =	sadd.s32 s0, s3;
	s0 =	sld [smem:$0x3F9E]  }
0x30: {  	s3 =	sld [smem:$0x3FA1]  }
0x31: {  	[smem:$0x3FAA] =	sst s10  }
0x32: {  	s10 =	sld [smem:$0x3FA8];
	_ =	sdelay $0x3  }
0x33: {  	p0 =	seq.s32 s10, $0x1;
	s10 =	sld [smem:$0x3FAA];
	_ =	sdelay $0x3  }
0x34: {  	[smem:$0x3FAA] =	sst s10  }
0x35: {  	s10 =	sld [smem:$0x3FA9];
	_ =	sdelay $0x3  }
0x36: {  	p1 =	seq.s32 s10, $0x1;
	s10 =	sld [smem:$0x3FAA];
	_ =	sdelay $0x3  }
0x37: {  	[smem:$0x3FAA] =	sst s10  }
0x38: {  	s10 =	sld [smem:$0x3FAB]  }
0x39: {  	_ = 	snop;
	(pc) =	sbr.ind lr, $3  }
0x3a: {  	_ = 	snop  }
0x3b: {  	_ = 	snop  }
0x3c: {  	p2 =	seq.s32 s10, $0x1;
	s10 =	sld [smem:$0x3FAA]  }
0x3d: {  	_ =	shalt  }
0x3e: {  	_ =	shalt  }
0x3f: {  	_ =	shalt  }
0x40: {  	_ =	shalt  }
0x41: {  	_ =	shalt  }
0x42: {  	_ =	shalt  }
0x43: {  	_ =	shalt  }
0x44: {  	_ =	shalt  }
0x45: {  	_ =	shalt  }
0x46: {  	_ =	shalt  }
0x47: {  	_ =	shalt  }
0x48: {  	_ =	shalt  }
0x49: {  	_ =	shalt  }
0x4a: {  	_ =	shalt  }
0x4b: {  	_ =	shalt  }
0x4c: {  	_ =	shalt  }
0x4d: {  	_ =	shalt  }
0x4e: {  	_ =	shalt  }
0x4f: {  	_ =	shalt  }
0x50: {  	_ =	shalt  }
0x51: {  	_ =	shalt  }
0x52: {  	_ =	shalt  }
0x53: {  	_ =	shalt  }
0x54: {  	_ =	shalt  }
0x55: {  	_ =	shalt  }
0x56: {  	_ =	shalt  }
0x57: {  	_ =	shalt  }
0x58: {  	_ =	shalt  }
0x59: {  	_ =	shalt  }
0x5a: {  	_ =	shalt  }
0x5b: {  	_ =	shalt  }
0x5c: {  	_ =	shalt  }
0x5d: {  	_ =	shalt  }
0x5e: {  	_ =	shalt  }
0x5f: {  	_ =	shalt  }
0x60: {  	_ =	shalt  }
0x61: {  	_ =	shalt  }
0x62: {  	_ =	shalt  }
0x63: {  	_ =	shalt  }
0x64: {  	_ =	shalt  }
0x65: {  	_ =	shalt  }
0x66: {  	_ =	shalt  }
0x67: {  	_ =	shalt  }
0x68: {  	_ =	shalt  }
0x69: {  	_ =	shalt  }
0x6a: {  	_ =	shalt  }
0x6b: {  	_ =	shalt  }
0x6c: {  	_ =	shalt  }
0x6d: {  	_ =	shalt  }
0x6e: {  	_ =	shalt  }
0x6f: {  	_ =	shalt  }
0x70: {  	_ =	shalt  }
0x71: {  	_ =	shalt  }
0x72: {  	_ =	shalt  }
0x73: {  	_ =	shalt  }
0x74: {  	_ =	shalt  }
0x75: {  	_ =	shalt  }
0x76: {  	_ =	shalt  }
0x77: {  	_ =	shalt  }
0x78: {  	_ =	shalt  }
0x79: {  	_ =	shalt  }
0x7a: {  	_ =	shalt  }
0x7b: {  	_ =	shalt  }
0x7c: {  	_ =	shalt  }
0x7d: {  	_ =	shalt  }
0x7e: {  	_ =	shalt  }
0x7f: {  	_ =	shalt  }
0x80: {  	_ =	shalt  }
0x81: {  	_ =	shalt  }
0x82: {  	_ =	shalt  }
0x83: {  	_ =	shalt  }
0x84: {  	_ =	shalt  }
0x85: {  	_ =	shalt  }
0x86: {  	_ =	shalt  }
0x87: {  	_ =	shalt  }
.Lfunc_end0:
.L_simem_size_0:
called_computation.3_lowered:
.L_overlay_start_0:
0x88: {  	s2 =	sld [smem:$0x3FD9]  }
0x89: {  	s3 =	sld [smem:$0x3FFE];
	_ =	sdelay $0x1  }
0x8a: {  	s1 =	srdreg.scid  }
0x8b: {  	s0 =	sand.u32 $0x1, s1  }
0x8c: {  	s16 =	sshll.u32 s0, $0xA;
	s2 =	sadd.s32 s3, s2  }
0x8d: {  	s2 =	sadd.s32 s2, s16  }
0x8e: {  	[smem:$0x3FB6] =	sst s2  }
0x8f: {  	_ = 	snop  }
0x90: {  	(tm) =	ssettm $0x1  }
0x91: {  	s17 =	sld [smem:$0x3FFB];
	_ =	sdelay $0x3  }
0x92: {  	_ =	strace s17  }
0x93: {  	s2 =	sld [smem:$0x3FFC];
	_ =	sdelay $0x3  }
0x94: {  	_ =	strace s2  }
0x95: {  	s2 =	sld [smem:$0x3FFD];
	_ =	sdelay $0x3  }
0x96: {  	_ =	strace s2  }
0x97: {  	_ =	strace $0x8FFFFFFF  }
0x98: {  	s18 =	sld [smem:$0x3FDB];
	_ =	sdelay $0x1  }
0x99: {  	s19 =	simm.s32 $_scs_section_size  }
0x9a: {  	s4 =	simm.s32 $_size__tile_overlayer_lowered;
	s5 =	simm.s32 $_tile_overlayer_lowered  }
0x9b: {  	s22 =	simm.s32 $0x1BFF;
	s21 =	sshll.u32 s5, $0x1;
	s2 =	sadd.s32 s19, s18  }
0x9c: {  	s6 =	simm.s32 $0x0;
	s20 =	sshll.u32 s4, $0x1;
	s4 =	sadd.s32 s21, s2  }
0x9d: {  	[timem:s6], [sflag:s22] =	dma.local [hbm:s4], s20  }
0x9e: {  	_ =	swait.ge [sflag:s22], s20  }
0x9f: {  	s3 =	ssub.s32 $0x0, s20;
	[sflag:s22] =	ssyncset.done $0x0  }
0xa0: {  	[sflag:s22] =	ssyncadd.s32 s3;
	_ =	sdelay $0x1  }
0xa1: {  	s23 =	simm.s32 $0x1B8B  }
0xa2: {  	_ =	swait.ge [sflag:s23], $0x1  }
0xa3: {  	[sflag:s23] =	ssyncset.done $0x0  }
0xa4: {  	s25 =	simm.s32 $0x1B8E;
	s24 =	sld [smem:$0x3FFE];
	[sflag:s23] =	ssyncadd.s32 $0xFFFFFFFF  }
0xa5: {  	s26 =	simm.s32 $execute0_lowered;
	[smem:$0x3FD2] =	sst s25  }
0xa6: {  	s4 =	sshll.u32 s26, $0x1;
	_ =	strace $0x8000004F;
	[dreg:$0x1] =	wrdreg $0xFFFFFFFF  }
0xa7: {  	s28 =	simm.s32 $_size_execute0_lowered;
	s2 =	sadd.s32 s2, s4;
	[dreg:$0x0] =	wrdreg $0x0  }
0xa8: {  	s4 =	sshll.u32 s28, $0x1;
	[dreg:$0x2] =	wrdreg s2  }
0xa9: {  	[dreg:$0x3] =	wrdreg s4  }
0xaa: {  	[dreg:$0x4] =	wrdreg $0xC0  }
0xab: {  	_ =	task [dreg:s6], $0x5FFFF  }
0xac: {  	[dreg:$0x1] =	wrdreg $0xFFFFFFFF  }
0xad: {  	[dreg:$0x0] =	wrdreg $0x60  }
0xae: {  	[dreg:$0x2] =	wrdreg s24  }
0xaf: {  	[dreg:$0x3] =	wrdreg $0x41000  }
0xb0: {  	[dreg:$0x4] =	wrdreg $0x9  }
0xb1: {  	_ =	task.clear_ibuf [dreg:s6], $0x5FFFF;
	_ =	strace $0x9000004F  }
0xb2: {  	s29 =	simm.s32 $0x9;
	_ =	strace $0x80000051  }
0xb3: {  	_ =	swait.ge [sflag:s29], $0x1  }
0xb4: {  	[sflag:s29] =	ssyncadd.s32 $0xFFFFFFFF  }
0xb5: {  	_ =	strace $0x90000051  }
0xb6: {  	_ =	sfence  }
0xb7: {  	s30 =	sld [smem:$0x0];
	_ =	sdelay $0x2  }
0xb8: {  	s31 =	sshll.u32 s1, $0xD;
	s1 =	sshrl.u32 s1, $0x2  }
0xb9: {  	s3 =	sand.u32 $0x4000, s31;
	s1 =	sadd.s32 s1, s30  }
0xba: {  	s0 =	sor.u32 s3, s0;
	s1 =	sshll.u32 s1, $0x11  }
0xbb: {  	s0 =	sor.u32 s1, s0  }
0xbc: {  	s0 =	sadd.s32 $0x8F2B, s0  }
0xbd: {  	[sflag:s0] =	ssyncadd.remote.s32 $0x1  }
0xbe: {  	_ =	sfence.sel $0xFFFF  }
0xbf: {  	[dreg:$0x0] =	wrdreg $0xFFFFFFFF;
	(pc) =	sbr.abs _section_cstart, $3  }
0xc0: {  	[dreg:$0x1] =	wrdreg $0xFFFFFFFF  }
0xc1: {  	_ =	task.clear_ibuf [dreg:s6], $0x2FFFF;
	_ =	strace $0x9FFFFFFF  }
0xc2: {  	(tm) =	ssettm $0x7FFFFFFF  }
0xc3: {  	_ =	shalt  }
tec
execute0_lowered:
.L_overlay_start_1:
0x0: {  	(tag) =	ssettag $0x1  }
0x1: {  	s5 =	rddreg [dreg:$0x0]  }
0x2: {  	s2 =	rddreg [dreg:$0x1]  }
0x3: {  	s0 =	rddreg [dreg:$0x2]  }
0x4: {  	s1 =	stileid.u32;
	s4 =	srdreg.scid  }
0x5: {  	s3 =	simm.s32 $0x0;
	s6 =	smul.u32 $0x14000, s1;
	s8 =	sand.u32 $0x1, s4  }
0x6: {  	[smem:$0x7FF] =	sst s3;
	s7 =	sshll.u32 s1, $0x6;
	s25 =	smul.u32 $0x50000, s1  }
0x7: {  	s4 =	sadd.s32 $0x49800, s5;
	s9 =	smul.u32 $0x140000, s8;
	_ =	strace $0x80000050  }
0x8: {  	s10 =	sadd.s32 s7, s5;
	s12 =	ssub.s32 $0x2, s8;
	s7 =	sor.u32 $0x1C02, s7  }
0x9: {  	s31 =	sshll.u32 s8, $0x5;
	s11 =	sshrl.u32 s6, $0x3;
	s26 =	sshrl.u32 s12, $0x1  }
0xa: {  	s28 =	sshrl.u32 s25, $0x2;
	s10 =	sadd.s32 s31, s10;
	s6 =	sadd.s32 s6, s9  }
0xb: {  	s11 =	sadd.s32 s11, s5;
	s29 =	ssub.s32 s12, s26;
	s30 =	sadd.s32 s28, s2  }
0xc: {  	s10 =	sadd.s32 $0xDE00, s10;
	s12 =	simm.s32 $0x2;
	s6 =	sshrl.u32 s6, $0x3  }
0xd: {  	s9 =	smax.u32 s29, $0x1;
	s13 =	sadd.s32 s6, s5;
	s5 =	sshll.u32 s1, $0x1  }
0xe: {  	s6 =	sadd.s32 $0x21800, s11;
	s11 =	sshrl.u32 s30, $0x3;
	s8 =	sadd.s32 $0xEA000, s13  }
.LBB2_1:
0xf: {  	[spmem:s11], [sflag:s7] =	dma.local [hbm:s6], $0x2800  }
0x10: {  	_ =	swait.ge [sflag:s12], $0x2800  }
0x11: {  	s13 =	sadd.s32 $0x0, s5;
	[sflag:s12] =	ssyncset.done $0x0  }
0x12: {  	p0 =	sgt.u32 s13, $0x9C3;
	[sflag:s12] =	ssyncadd.s32 $0xFFFFD800  }
0x13: {  	s13 =	simm.s32 @!p0 $0x0;
	s14 =	simm.s32 @!p0 $0x3;
	[bflag:$0x0] =	sbarrier.arrive $0xFFFF  }
0x14: {  	[tilespmem:s13], [sflag:$0x3] =	stream.linear.gather @!p0 [hbm4b:s10+s13], $0x100, $0x38;
	[tilespmem:$0x18100] =	vst v63  }
0x15: {  	_ =	swait.ge @!p0 [sflag:s14], $0x100  }
0x16: {  	s15 =	simm.s32 @!p0 $0x1;
	[sflag:s14] =	ssyncset.done @!p0 $0x0  }
0x17: {  	s16 =	simm.s32 @!p0 $0x100;
	[sflag:s14] =	ssyncadd.s32 @!p0 $0xFFFFFF00;
	s14 =	simm.s32 @!p0 $0x80  }
0x18: {  	[tilespmem:s16], [sflag:$0x1] =	stream.indirect.gather @!p0 [hbm4b:s4+s14], $0x80, s13, s14, $0xb8;
	[tilespmem:$0x18100] =	vst v63  }
0x19: {  	p1 =	por p0, p0;
	_ =	swait.ge @!p0 [sflag:s15], $0x4000  }
0x1a: {  	[sflag:s15] =	ssyncset.done @!p1 $0x0  }
0x1b: {  	[sflag:s15] =	ssyncadd.s32 @!p1 $0xFFFFC000;
	s15 =	simm.s32 @!p1 $0x2  }
0x1c: {  	[spmem:s2] =	stream.indirect.scatter.add.f32 @!p1 [tilespmem:s16], [sflag:$0x2], $0x80, s14, s14, $0xb8;
	[tilespmem:$0x18100] =	vst v63  }
0x1d: {  	s31 =	sadd.s32 $0x20, s5;
	s13 =	simm.s32 $0x40;
	_ =	swait.ge @!p1 [sflag:s15], $0x4000  }
0x1e: {  	p0 =	sgt.u32 s31, $0x9C3;
	s14 =	sadd.s32 $0x400, s10;
	[sflag:s15] =	ssyncset.done @!p1 $0x0  }
.LBB2_2:
0x1f: {  	s16 =	simm.s32 @!p0 $0x0;
	s17 =	simm.s32 @!p0 $0x3;
	[sflag:s15] =	ssyncadd.s32 @!p1 $0xFFFFC000  }
0x20: {  	[tilespmem:s16], [sflag:$0x3] =	stream.linear.gather @!p0 [hbm4b:s14+s16], $0x100, $0x38;
	[tilespmem:$0x18100] =	vst v63  }
0x21: {  	s18 =	smov.u32 s13;
	s13 =	sadd.s32 $0x20, s13;
	_ =	swait.ge @!p0 [sflag:s17], $0x100  }
0x22: {  	s15 =	simm.s32 @!p0 $0x1;
	p2 =	sne.s32 s13, $0x9E0;
	[sflag:s17] =	ssyncset.done @!p0 $0x0  }
0x23: {  	s19 =	simm.s32 @!p0 $0x100;
	[sflag:s17] =	ssyncadd.s32 @!p0 $0xFFFFFF00;
	s17 =	simm.s32 @!p0 $0x80  }
0x24: {  	[tilespmem:s19], [sflag:$0x1] =	stream.indirect.gather @!p0 [hbm4b:s4+s17], $0x80, s16, s17, $0xb8;
	[tilespmem:$0x18100] =	vst v63  }
0x25: {  	p1 =	por p0, p0;
	_ =	swait.ge @!p0 [sflag:s15], $0x4000  }
.Ltmp0:
0x26: {  	[sflag:s15] =	ssyncset.done @!p1 $0x0;
	(pc) =	sbr.rel @p2 .LBB2_2-.Ltmp0, $4  }
0x27: {  	[sflag:s15] =	ssyncadd.s32 @!p1 $0xFFFFC000;
	s15 =	simm.s32 @!p1 $0x2  }
0x28: {  	[spmem:s2] =	stream.indirect.scatter.add.f32 @!p1 [tilespmem:s19], [sflag:$0x2], $0x80, s17, s17, $0xb8;
	[tilespmem:$0x18100] =	vst v63  }
0x29: {  	s16 =	sadd.s32 s18, s5;
	_ =	swait.ge @!p1 [sflag:s15], $0x4000  }
0x2a: {  	s14 =	sadd.s32 $0x400, s14;
	p0 =	sgt.u32 s16, $0x9C3;
	[sflag:s15] =	ssyncset.done @!p1 $0x0  }
0x2b: {  	s13 =	simm.s32 @!p0 $0x0;
	s16 =	simm.s32 @!p0 $0x3;
	[sflag:s15] =	ssyncadd.s32 @!p1 $0xFFFFC000  }
0x2c: {  	[tilespmem:s13], [sflag:$0x3] =	stream.linear.gather @!p0 [hbm4b:s14+s13], $0x100, $0x38;
	[tilespmem:$0x18100] =	vst v63  }
0x2d: {  	_ =	swait.ge @!p0 [sflag:s16], $0x100  }
0x2e: {  	s15 =	simm.s32 @!p0 $0x80;
	[sflag:s16] =	ssyncset.done @!p0 $0x0  }
0x2f: {  	s14 =	simm.s32 @!p0 $0x1;
	[sflag:s16] =	ssyncadd.s32 @!p0 $0xFFFFFF00;
	s16 =	simm.s32 @!p0 $0x100  }
0x30: {  	[tilespmem:s16], [sflag:$0x1] =	stream.indirect.gather @!p0 [hbm4b:s4+s15], $0x80, s13, s15, $0xb8;
	[tilespmem:$0x18100] =	vst v63  }
0x31: {  	_ =	swait.ge @!p0 [sflag:s14], $0x4000;
	p0 =	por p0, p0  }
0x32: {  	[sflag:s14] =	ssyncset.done @!p0 $0x0  }
0x33: {  	s13 =	simm.s32 @!p0 $0x2;
	[sflag:s14] =	ssyncadd.s32 @!p0 $0xFFFFC000  }
0x34: {  	[spmem:s2] =	stream.indirect.scatter.add.f32 @!p0 [tilespmem:s16], [sflag:$0x2], $0x80, s15, s15, $0xb8;
	[tilespmem:$0x18100] =	vst v63  }
0x35: {  	_ =	swait.ge @!p0 [sflag:s13], $0x4000  }
0x36: {  	s3 =	sadd.s32 $0x1, s3;
	[sflag:s13] =	ssyncset.done @!p0 $0x0  }
0x37: {  	[sflag:s13] =	ssyncadd.s32 @!p0 $0xFFFFC000;
	p0 =	sne.s32 s3, s9  }
.Ltmp1:
0x38: {  	[bflag:$0x0] =	sbarrier.arrive $0xFFFF;
	(pc) =	sbr.rel @p0 .LBB2_1-.Ltmp1, $4  }
0x39: {  	[hbm:s8], [sflag:s7] =	dma.local [spmem:s11], $0x2800  }
0x3a: {  	_ =	swait.ge [sflag:s12], $0x2800  }
0x3b: {  	[sflag:s12] =	ssyncset.done $0x0  }
0x3c: {  	[sflag:s12] =	ssyncadd.s32 $0xFFFFD800  }
0x3d: {  	_ =	sfence.sel $0x180000  }
0x3e: {  	[bflag:$0x0] =	sbarrier.arrive $0xFFFF  }
0x3f: {  	p0 =	sne.s32 s1, $0x0;
	_ =	strace $0x90000050  }
0x40: {  	s0 =	sadd.s32 @!p0 $0x100000, s0;
	[bflag:$0x2] =	sbarrier.arrive $0xFFFF  }
0x41: {  	[sflag:s0] =	ssyncadd.tile.s32 @!p0 $0x1;
	_ =	shalt  }
.Lfunc_end2:
_tile_overlayer_lowered:
.L_overlay_start_2:
0x42: {  	(tag) =	ssettag $0x2  }
0x43: {  	s0 =	rddreg [dreg:$0x0];
	s2 =	stileid.u32  }
0x44: {  	s1 =	rddreg [dreg:$0x1];
	p0 =	sne.s32 s2, $0x0  }
0x45: {  	s3 =	rddreg [dreg:$0x2];
	[bflag:$0x3] =	sbarrier.arrive $0xFFFF;
	s2 =	simm.s32 @!p0 $0x1C02  }
0x46: {  	[timem:s3], [sflag:s2] =	dma.local @!p0 [hbm:s0], s1  }
0x47: {  	s0 =	simm.s32 @!p0 $0x2  }
0x48: {  	_ =	swait.ge @!p0 [sflag:s0], s1  }
0x49: {  	s1 =	ssub.s32 @!p0 $0x0, s1;
	[sflag:s0] =	ssyncset.done @!p0 $0x0  }
0x4a: {  	[sflag:s0] =	ssyncadd.s32 @!p0 s1  }
0x4b: {  	[bflag:$0x3] =	sbarrier.arrive $0xFFFF  }
0x4c: {  	_ =	shalt  }

</sc_bundles>
